<compile_context>
chip_gen: v7x
topology: tpu7x:2x2x1
jax: 0.10.2.dev20260603
libtpu: 0.0.44.dev20260713+nightly
codegen_flags: <defaults>
</compile_context>

<pallas_src>
import functools

import jax
import jax.numpy as jnp
from jax import lax
from jax.experimental import pallas as pl
from jax.experimental.pallas import tpu as pltpu
from jax.experimental.pallas import tpu_sc as plsc

B = 4096
NUM = 13
CAT = 26
V = 100000
D = 64
F = NUM + CAT
L = 16


def _lane_bcast(v, k):
    idx = jnp.full((L, 1), 1, jnp.int32) * k
    return lax.gather(
        v, idx,
        lax.GatherDimensionNumbers(offset_dims=(), collapsed_slice_dims=(0,),
                                   start_index_map=(0,)),
        (1,), mode=lax.GatherScatterMode.PROMISE_IN_BOUNDS)


def _body(NC, NW, xT_hbm, tab_hbm, nemb_hbm, out_hbm,
          slab_v, xint_v, xintn_v, obuf_v, nbuf_v, nemb_v,
          sem_s, sem_w0, sem_w1, sem_n):
    CPW = (CAT * D) // NW
    NPW = (NUM * D) // NW
    wid = lax.axis_index("s") * NC + lax.axis_index("c")
    c0 = wid * CPW
    n0 = wid * NPW

    pltpu.sync_copy(nemb_hbm, nemb_v)

    sems_w = (sem_w0, sem_w1)

    def out_row(f, d):
        return out_hbm.at[f, d, :]

    def wait_write(buf, f, d):
        pltpu.make_async_copy(obuf_v.at[buf], out_row(f, d),
                              sems_w[buf]).wait()

    def jd(t):
        p = c0 + t
        return p // D, p % D

    def fire_slab(t):
        j, d = jd(t)
        pltpu.async_copy(tab_hbm.at[j, d, :], slab_v, sem_s)

    def wait_slab(t):
        j, d = jd(t)
        pltpu.make_async_copy(tab_hbm.at[j, d, :], slab_v, sem_s).wait()

    def numerical_unit(n, first):
        j = n // D
        d = n % D

        @pl.when(jnp.logical_or(first, d == 0))
        def _():
            pltpu.sync_copy(xT_hbm.at[j, :], xintn_v)
        ev16 = nemb_v[j, pl.ds((d // L) * L, L)]
        ev = _lane_bcast(ev16, d % L)

        def cb(c, carry):
            xv = xintn_v[pl.ds(c * L, L)].astype(jnp.float32)
            nbuf_v[pl.ds(c * L, L)] = xv * ev
            return carry
        lax.fori_loop(0, B // L, cb, 0)
        pltpu.async_copy(nbuf_v, out_row(j, d), sem_n)
        pltpu.make_async_copy(nbuf_v, out_row(j, d), sem_n).wait()

    UNROLL = 4

    def cat_unit(t, buf):
        j, d = jd(t)

        @pl.when(t < NPW)
        def _():
            numerical_unit(n0 + t, t == 0)

        @pl.when(jnp.logical_or(t == 0, d == 0))
        def _():
            pltpu.sync_copy(xT_hbm.at[NUM + j, :], xint_v)

        @pl.when(t >= 2)
        def _():
            pj, pd = jd(t - 2)
            wait_write(buf, NUM + pj, pd)

        wait_slab(t)

        def gb(c, carry2):
            for u in range(UNROLL):
                idxv = xint_v[pl.ds((c * UNROLL + u) * L, L)]
                obuf_v[buf, pl.ds((c * UNROLL + u) * L, L)] = (
                    plsc.load_gather(slab_v, [idxv]))
            return carry2
        lax.fori_loop(0, B // (L * UNROLL), gb, 0)

        @pl.when(t + 1 < CPW)
        def _():
            fire_slab(t + 1)

        pltpu.async_copy(obuf_v.at[buf], out_row(NUM + j, d), sems_w[buf])

    fire_slab(0)

    def pair_body(q, carry):
        cat_unit(2 * q, 0)
        cat_unit(2 * q + 1, 1)
        return carry

    lax.fori_loop(0, CPW // 2, pair_body, 0)

    for t in (CPW - 2, CPW - 1):
        p = c0 + t
        wait_write(t % 2, NUM + p // D, p % D)


def kernel(x, num_emb, cat_tables):
    info = plsc.get_sparse_core_info()
    NC, NS = info.num_cores, info.num_subcores
    NW = NC * NS

    xT = x.T
    tabT = jnp.transpose(cat_tables, (0, 2, 1))

    mesh = plsc.VectorSubcoreMesh(core_axis_name="c", subcore_axis_name="s")
    k = pl.kernel(
        functools.partial(_body, NC, NW),
        out_type=jax.ShapeDtypeStruct((F, D, B), jnp.float32),
        mesh=mesh,
        compiler_params=pltpu.CompilerParams(needs_layout_passes=False),
        scratch_types=[
            pltpu.VMEM((V,), jnp.float32),
            pltpu.VMEM((B,), jnp.int32),
            pltpu.VMEM((B,), jnp.int32),
            pltpu.VMEM((2, B), jnp.float32),
            pltpu.VMEM((B,), jnp.float32),
            pltpu.VMEM((NUM, D), jnp.float32),
            pltpu.SemaphoreType.DMA,
            pltpu.SemaphoreType.DMA,
            pltpu.SemaphoreType.DMA,
            pltpu.SemaphoreType.DMA,
        ],
    )
    out3 = k(xT, tabT, num_emb)
    return jnp.transpose(out3, (2, 0, 1))

# --- scband reference (transcript-rebuilt; emitter-appended) ---
"""Pipeline reference for scband-feature-tokenizer-41051297415903 (READ-ONLY COPY).

The authoritative reference and input builder live on the scoring server;
editing this copy changes nothing except your own understanding.
"""

import jax, jax.numpy as jnp
import numpy as np

B = 4096
NUM = 13
CAT = 26
V = 100000
D = 64


def setup_inputs(seed: int = 0) -> dict:
    key = jax.random.key(seed)
    k1, k2, k3 = jax.random.split(key, 3)
    # single raw-feature tensor: first 13 cols numerical, last 26 cols categorical ids
    x = jax.random.randint(k1, (B, NUM + CAT), 0, V, dtype=jnp.int32)
    # learned parameters
    num_emb = jax.random.normal(k2, (NUM, D), dtype=jnp.float32)
    cat_tables = jax.random.normal(k3, (CAT, V, D), dtype=jnp.float32)
    return {"x": x, "num_emb": num_emb, "cat_tables": cat_tables}


def reference(x, num_emb, cat_tables):
    # numerical columns 0..12, categorical columns 13..38 (matching init_kwargs)
    x_numerical = x[:, :NUM].astype(jnp.float32)          # [B, 13]
    x_categorical = x[:, NUM:NUM + CAT]                    # [B, 26] int ids
    # numerical tokens: scale per-feature embedding by raw value
    numerical_tokens = x_numerical[:, :, None] * num_emb[None, :, :]  # [B, 13, D]
    # categorical tokens: per-field embedding lookup (one table per field)
    gather = jax.vmap(lambda table, idx: jnp.take(table, idx, axis=0), in_axes=(0, 1), out_axes=1)
    categorical_tokens = gather(cat_tables, x_categorical)  # [B, 26, D]
    all_tokens = jnp.concatenate([numerical_tokens, categorical_tokens], axis=1)  # [B, 39, D]
    return all_tokens

if __name__ == "__main__":
    import jax
    _d = setup_inputs()
    print(jax.jit(kernel)(*tuple(_d.values())))

</pallas_src>

<mosaic_0001>
#map = affine_map<(d0, d1) -> (0, 0)>
#map1 = affine_map<(d0, d1) -> (0, 0, 0)>
module attributes {stable_mosaic.version = 14 : i64} {
  func.func @_body(%arg0: i32, %arg1: i32, %arg2: memref<39x4096xi32, #tpu.memory_space<hbm>>, %arg3: memref<26x64x100000xf32, #tpu.memory_space<hbm>>, %arg4: memref<13x64xf32, #tpu.memory_space<hbm>>, %arg5: memref<39x64x4096xf32, #tpu.memory_space<hbm>>, %arg6: memref<100000xf32, #tpu.memory_space<vmem>>, %arg7: memref<4096xi32, #tpu.memory_space<vmem>>, %arg8: memref<4096xi32, #tpu.memory_space<vmem>>, %arg9: memref<2x4096xf32, #tpu.memory_space<vmem>>, %arg10: memref<4096xf32, #tpu.memory_space<vmem>>, %arg11: memref<13x64xf32, #tpu.memory_space<vmem>>, %arg12: memref<!tpu.dma_semaphore, #tpu.memory_space<semaphore_mem>>, %arg13: memref<!tpu.dma_semaphore, #tpu.memory_space<semaphore_mem>>, %arg14: memref<!tpu.dma_semaphore, #tpu.memory_space<semaphore_mem>>, %arg15: memref<!tpu.dma_semaphore, #tpu.memory_space<semaphore_mem>>) attributes {dimension_semantics = [#tpu.dimension_semantics<core_parallel>, #tpu.dimension_semantics<subcore_parallel>], iteration_bounds = array<i64: 2, 16>, scalar_prefetch = 0 : i64, scratch_operands = 10 : i64, tpu.core_type = #tpu.core_type<sc_vector_subcore>, window_params = [{transform_indices = #map}, {transform_indices = #map1}, {transform_indices = #map}, {transform_indices = #map1}]} {
    %mul3A = arith.constant 2 : i32
    %mul3A_0 = arith.muli %arg1, %mul3A : i32
    %add3A = arith.addi %mul3A_0, %arg0 : i32
    %mul3A_1 = arith.constant 52 : i32
    %mul3A_2 = arith.muli %add3A, %mul3A_1 : i32
    %mul3A_3 = arith.constant 26 : i32
    %mul3A_4 = arith.muli %add3A, %mul3A_3 : i32
    "tpu.region"() ({
      %run_scoped3A = tpu.sem_alloc : memref<!tpu.dma_semaphore, #tpu.memory_space<semaphore_mem>>
      tpu.enqueue_dma source(%arg4 : memref<13x64xf32, #tpu.memory_space<hbm>>) target(%arg11 : memref<13x64xf32, #tpu.memory_space<vmem>>) target_semaphore(%run_scoped3A : memref<!tpu.dma_semaphore, #tpu.memory_space<semaphore_mem>>)
      tpu.wait_dma2 semaphore(%run_scoped3A : memref<!tpu.dma_semaphore, #tpu.memory_space<semaphore_mem>>) src(%arg4 : memref<13x64xf32, #tpu.memory_space<hbm>>) dst(%arg11 : memref<13x64xf32, #tpu.memory_space<vmem>>)
      tpu.yield
    }) : () -> ()
    %add3A_5 = arith.constant 0 : i32
    %add3A_6 = arith.addi %mul3A_2, %add3A_5 : i32
    %jit3A = arith.constant 64 : i32
    %div3A = arith.divsi %add3A_6, %jit3A : i32
    %sign3A = arith.constant 0 : i32
    %sign3A_7 = arith.cmpi sgt, %add3A_6, %sign3A : i32
    %sign3A_8 = arith.extui %sign3A_7 : i1 to i32
    %sign3A_9 = arith.constant 0 : i32
    %sign3A_10 = arith.cmpi slt, %add3A_6, %sign3A_9 : i32
    %sign3A_11 = arith.extui %sign3A_10 : i1 to i32
    %sign3A_12 = arith.subi %sign3A_8, %sign3A_11 : i32
    %sign3A_13 = arith.constant 0 : i32
    %sign3A_14 = arith.cmpi sgt, %jit3A, %sign3A_13 : i32
    %sign3A_15 = arith.extui %sign3A_14 : i1 to i32
    %sign3A_16 = arith.constant 0 : i32
    %sign3A_17 = arith.cmpi slt, %jit3A, %sign3A_16 : i32
    %sign3A_18 = arith.extui %sign3A_17 : i1 to i32
    %sign3A_19 = arith.subi %sign3A_15, %sign3A_18 : i32
    %ne3A = arith.cmpi ne, %sign3A_12, %sign3A_19 : i32
    %rem3A = arith.remsi %add3A_6, %jit3A : i32
    %ne3A_20 = arith.constant 0 : i32
    %ne3A_21 = arith.cmpi ne, %rem3A, %ne3A_20 : i32
    %and3A = arith.andi %ne3A, %ne3A_21 : i1
    %sub3A = arith.constant 1 : i32
    %sub3A_22 = arith.subi %div3A, %sub3A : i32
    %select_n3A = arith.select %and3A, %sub3A_22, %div3A : i32
    %jit3A_23 = arith.constant 64 : i32
    %eq3A = arith.constant 0 : i32
    %eq3A_24 = arith.cmpi eq, %jit3A_23, %eq3A : i32
    %jit3A_25 = arith.constant 1 : i32
    %select_n3A_26 = arith.select %eq3A_24, %jit3A_25, %jit3A_23 : i32
    %rem3A_27 = arith.remsi %add3A_6, %select_n3A_26 : i32
    %ne3A_28 = arith.constant 0 : i32
    %ne3A_29 = arith.cmpi ne, %rem3A_27, %ne3A_28 : i32
    %lt3A = arith.constant 0 : i32
    %lt3A_30 = arith.cmpi slt, %rem3A_27, %lt3A : i32
    %lt3A_31 = arith.constant 0 : i32
    %lt3A_32 = arith.cmpi slt, %select_n3A_26, %lt3A_31 : i32
    %ne3A_33 = arith.xori %lt3A_30, %lt3A_32 : i1
    %and3A_34 = arith.andi %ne3A_33, %ne3A_29 : i1
    %add3A_35 = arith.addi %rem3A_27, %select_n3A_26 : i32
    %select_n3A_36 = arith.select %and3A_34, %add3A_35, %rem3A_27 : i32
    %dma_start3A = arith.constant 0 : i32
    %dma_start3A_37 = tpu.memref_slice %arg3[%select_n3A, %select_n3A_36, %dma_start3A] : memref<26x64x100000xf32, #tpu.memory_space<hbm>> -> memref<1x1x100000xf32, #tpu.memory_space<hbm>>
    %dma_start3A_38 = tpu.memref_squeeze %dma_start3A_37 : memref<1x1x100000xf32, #tpu.memory_space<hbm>> -> memref<100000xf32, #tpu.memory_space<hbm>>
    %dma_start3A_39 = arith.constant 0 : i32
    %dma_start3A_40 = tpu.memref_slice %arg3[%select_n3A, %select_n3A_36, %dma_start3A_39] : memref<26x64x100000xf32, #tpu.memory_space<hbm>> -> memref<1x1x100000xf32, #tpu.memory_space<hbm>>
    %dma_start3A_41 = tpu.memref_squeeze %dma_start3A_40 : memref<1x1x100000xf32, #tpu.memory_space<hbm>> -> memref<100000xf32, #tpu.memory_space<hbm>>
    tpu.enqueue_dma source(%dma_start3A_41 : memref<100000xf32, #tpu.memory_space<hbm>>) target(%arg6 : memref<100000xf32, #tpu.memory_space<vmem>>) target_semaphore(%arg12 : memref<!tpu.dma_semaphore, #tpu.memory_space<semaphore_mem>>)
    %scan3A = arith.constant 0 : i32
    %scan3A_42 = arith.constant 0 : i32
    %scan3A_43 = arith.constant 26 : i32
    %scan3A_44 = arith.addi %scan3A_42, %scan3A_43 : i32
    %scan3A_45 = arith.constant 1 : i32
    scf.for %scan3A_160 = %scan3A_42 to %scan3A_44 step %scan3A_45  : i32 {
      %mul3A_161 = arith.constant 2 : i32
      %mul3A_162 = arith.muli %mul3A_161, %scan3A_160 : i32
      %add3A_163 = arith.addi %mul3A_2, %mul3A_162 : i32
      %jit3A_164 = arith.constant 64 : i32
      %div3A_165 = arith.divsi %add3A_163, %jit3A_164 : i32
      %sign3A_166 = arith.constant 0 : i32
      %sign3A_167 = arith.cmpi sgt, %add3A_163, %sign3A_166 : i32
      %sign3A_168 = arith.extui %sign3A_167 : i1 to i32
      %sign3A_169 = arith.constant 0 : i32
      %sign3A_170 = arith.cmpi slt, %add3A_163, %sign3A_169 : i32
      %sign3A_171 = arith.extui %sign3A_170 : i1 to i32
      %sign3A_172 = arith.subi %sign3A_168, %sign3A_171 : i32
      %sign3A_173 = arith.constant 0 : i32
      %sign3A_174 = arith.cmpi sgt, %jit3A_164, %sign3A_173 : i32
      %sign3A_175 = arith.extui %sign3A_174 : i1 to i32
      %sign3A_176 = arith.constant 0 : i32
      %sign3A_177 = arith.cmpi slt, %jit3A_164, %sign3A_176 : i32
      %sign3A_178 = arith.extui %sign3A_177 : i1 to i32
      %sign3A_179 = arith.subi %sign3A_175, %sign3A_178 : i32
      %ne3A_180 = arith.cmpi ne, %sign3A_172, %sign3A_179 : i32
      %rem3A_181 = arith.remsi %add3A_163, %jit3A_164 : i32
      %ne3A_182 = arith.constant 0 : i32
      %ne3A_183 = arith.cmpi ne, %rem3A_181, %ne3A_182 : i32
      %and3A_184 = arith.andi %ne3A_180, %ne3A_183 : i1
      %sub3A_185 = arith.constant 1 : i32
      %sub3A_186 = arith.subi %div3A_165, %sub3A_185 : i32
      %select_n3A_187 = arith.select %and3A_184, %sub3A_186, %div3A_165 : i32
      %jit3A_188 = arith.constant 64 : i32
      %eq3A_189 = arith.constant 0 : i32
      %eq3A_190 = arith.cmpi eq, %jit3A_188, %eq3A_189 : i32
      %jit3A_191 = arith.constant 1 : i32
      %select_n3A_192 = arith.select %eq3A_190, %jit3A_191, %jit3A_188 : i32
      %rem3A_193 = arith.remsi %add3A_163, %select_n3A_192 : i32
      %ne3A_194 = arith.constant 0 : i32
      %ne3A_195 = arith.cmpi ne, %rem3A_193, %ne3A_194 : i32
      %lt3A_196 = arith.constant 0 : i32
      %lt3A_197 = arith.cmpi slt, %rem3A_193, %lt3A_196 : i32
      %lt3A_198 = arith.constant 0 : i32
      %lt3A_199 = arith.cmpi slt, %select_n3A_192, %lt3A_198 : i32
      %ne3A_200 = arith.xori %lt3A_197, %lt3A_199 : i1
      %and3A_201 = arith.andi %ne3A_200, %ne3A_195 : i1
      %add3A_202 = arith.addi %rem3A_193, %select_n3A_192 : i32
      %select_n3A_203 = arith.select %and3A_201, %add3A_202, %rem3A_193 : i32
      %lt3A_204 = arith.constant 26 : i32
      %lt3A_205 = arith.cmpi slt, %mul3A_162, %lt3A_204 : i32
      %convert_element_type3A = arith.extui %lt3A_205 : i1 to i32
      %cond3A = arith.constant 0 : i32
      %cond3A_206 = arith.cmpi ne, %convert_element_type3A, %cond3A : i32
      scf.if %cond3A_206 {
        %add3A_431 = arith.addi %mul3A_4, %mul3A_162 : i32
        %eq3A_432 = arith.constant 0 : i32
        %eq3A_433 = arith.cmpi eq, %mul3A_162, %eq3A_432 : i32
        %jit3A_434 = arith.constant 64 : i32
        %div3A_435 = arith.divsi %add3A_431, %jit3A_434 : i32
        %sign3A_436 = arith.constant 0 : i32
        %sign3A_437 = arith.cmpi sgt, %add3A_431, %sign3A_436 : i32
        %sign3A_438 = arith.extui %sign3A_437 : i1 to i32
        %sign3A_439 = arith.constant 0 : i32
        %sign3A_440 = arith.cmpi slt, %add3A_431, %sign3A_439 : i32
        %sign3A_441 = arith.extui %sign3A_440 : i1 to i32
        %sign3A_442 = arith.subi %sign3A_438, %sign3A_441 : i32
        %sign3A_443 = arith.constant 0 : i32
        %sign3A_444 = arith.cmpi sgt, %jit3A_434, %sign3A_443 : i32
        %sign3A_445 = arith.extui %sign3A_444 : i1 to i32
        %sign3A_446 = arith.constant 0 : i32
        %sign3A_447 = arith.cmpi slt, %jit3A_434, %sign3A_446 : i32
        %sign3A_448 = arith.extui %sign3A_447 : i1 to i32
        %sign3A_449 = arith.subi %sign3A_445, %sign3A_448 : i32
        %ne3A_450 = arith.cmpi ne, %sign3A_442, %sign3A_449 : i32
        %rem3A_451 = arith.remsi %add3A_431, %jit3A_434 : i32
        %ne3A_452 = arith.constant 0 : i32
        %ne3A_453 = arith.cmpi ne, %rem3A_451, %ne3A_452 : i32
        %and3A_454 = arith.andi %ne3A_450, %ne3A_453 : i1
        %sub3A_455 = arith.constant 1 : i32
        %sub3A_456 = arith.subi %div3A_435, %sub3A_455 : i32
        %select_n3A_457 = arith.select %and3A_454, %sub3A_456, %div3A_435 : i32
        %jit3A_458 = arith.constant 64 : i32
        %eq3A_459 = arith.constant 0 : i32
        %eq3A_460 = arith.cmpi eq, %jit3A_458, %eq3A_459 : i32
        %jit3A_461 = arith.constant 1 : i32
        %select_n3A_462 = arith.select %eq3A_460, %jit3A_461, %jit3A_458 : i32
        %rem3A_463 = arith.remsi %add3A_431, %select_n3A_462 : i32
        %ne3A_464 = arith.constant 0 : i32
        %ne3A_465 = arith.cmpi ne, %rem3A_463, %ne3A_464 : i32
        %lt3A_466 = arith.constant 0 : i32
        %lt3A_467 = arith.cmpi slt, %rem3A_463, %lt3A_466 : i32
        %lt3A_468 = arith.constant 0 : i32
        %lt3A_469 = arith.cmpi slt, %select_n3A_462, %lt3A_468 : i32
        %ne3A_470 = arith.xori %lt3A_467, %lt3A_469 : i1
        %and3A_471 = arith.andi %ne3A_470, %ne3A_465 : i1
        %add3A_472 = arith.addi %rem3A_463, %select_n3A_462 : i32
        %select_n3A_473 = arith.select %and3A_471, %add3A_472, %rem3A_463 : i32
        %eq3A_474 = arith.constant 0 : i32
        %eq3A_475 = arith.cmpi eq, %select_n3A_473, %eq3A_474 : i32
        %or3A_476 = arith.ori %eq3A_433, %eq3A_475 : i1
        %convert_element_type3A_477 = arith.extui %or3A_476 : i1 to i32
        %cond3A_478 = arith.constant 0 : i32
        %cond3A_479 = arith.cmpi ne, %convert_element_type3A_477, %cond3A_478 : i32
        scf.if %cond3A_479 {
          "tpu.region"() ({
            %run_scoped3A = tpu.sem_alloc : memref<!tpu.dma_semaphore, #tpu.memory_space<semaphore_mem>>
            %dma_start3A_546 = arith.constant 0 : i32
            %dma_start3A_547 = tpu.memref_slice %arg2[%select_n3A_457, %dma_start3A_546] : memref<39x4096xi32, #tpu.memory_space<hbm>> -> memref<1x4096xi32, #tpu.memory_space<hbm>>
            %dma_start3A_548 = tpu.memref_squeeze %dma_start3A_547 : memref<1x4096xi32, #tpu.memory_space<hbm>> -> memref<4096xi32, #tpu.memory_space<hbm>>
            %dma_start3A_549 = arith.constant 0 : i32
            %dma_start3A_550 = tpu.memref_slice %arg2[%select_n3A_457, %dma_start3A_549] : memref<39x4096xi32, #tpu.memory_space<hbm>> -> memref<1x4096xi32, #tpu.memory_space<hbm>>
            %dma_start3A_551 = tpu.memref_squeeze %dma_start3A_550 : memref<1x4096xi32, #tpu.memory_space<hbm>> -> memref<4096xi32, #tpu.memory_space<hbm>>
            tpu.enqueue_dma source(%dma_start3A_551 : memref<4096xi32, #tpu.memory_space<hbm>>) target(%arg8 : memref<4096xi32, #tpu.memory_space<vmem>>) target_semaphore(%run_scoped3A : memref<!tpu.dma_semaphore, #tpu.memory_space<semaphore_mem>>)
            %dma_wait3A_552 = arith.constant 0 : i32
            %dma_wait3A_553 = tpu.memref_slice %arg2[%select_n3A_457, %dma_wait3A_552] : memref<39x4096xi32, #tpu.memory_space<hbm>> -> memref<1x4096xi32, #tpu.memory_space<hbm>>
            %dma_wait3A_554 = tpu.memref_squeeze %dma_wait3A_553 : memref<1x4096xi32, #tpu.memory_space<hbm>> -> memref<4096xi32, #tpu.memory_space<hbm>>
            %dma_wait3A_555 = arith.constant 0 : i32
            %dma_wait3A_556 = tpu.memref_slice %arg2[%select_n3A_457, %dma_wait3A_555] : memref<39x4096xi32, #tpu.memory_space<hbm>> -> memref<1x4096xi32, #tpu.memory_space<hbm>>
            %dma_wait3A_557 = tpu.memref_squeeze %dma_wait3A_556 : memref<1x4096xi32, #tpu.memory_space<hbm>> -> memref<4096xi32, #tpu.memory_space<hbm>>
            tpu.wait_dma2 semaphore(%run_scoped3A : memref<!tpu.dma_semaphore, #tpu.memory_space<semaphore_mem>>) src(%dma_wait3A_557 : memref<4096xi32, #tpu.memory_space<hbm>>) dst(%arg8 : memref<4096xi32, #tpu.memory_space<vmem>>)
            tpu.yield
          }) : () -> ()
        } else {
        }
        %jit3A_480 = arith.constant 16 : i32
        %div3A_481 = arith.divsi %select_n3A_473, %jit3A_480 : i32
        %sign3A_482 = arith.constant 0 : i32
        %sign3A_483 = arith.cmpi sgt, %select_n3A_473, %sign3A_482 : i32
        %sign3A_484 = arith.extui %sign3A_483 : i1 to i32
        %sign3A_485 = arith.constant 0 : i32
        %sign3A_486 = arith.cmpi slt, %select_n3A_473, %sign3A_485 : i32
        %sign3A_487 = arith.extui %sign3A_486 : i1 to i32
        %sign3A_488 = arith.subi %sign3A_484, %sign3A_487 : i32
        %sign3A_489 = arith.constant 0 : i32
        %sign3A_490 = arith.cmpi sgt, %jit3A_480, %sign3A_489 : i32
        %sign3A_491 = arith.extui %sign3A_490 : i1 to i32
        %sign3A_492 = arith.constant 0 : i32
        %sign3A_493 = arith.cmpi slt, %jit3A_480, %sign3A_492 : i32
        %sign3A_494 = arith.extui %sign3A_493 : i1 to i32
        %sign3A_495 = arith.subi %sign3A_491, %sign3A_494 : i32
        %ne3A_496 = arith.cmpi ne, %sign3A_488, %sign3A_495 : i32
        %rem3A_497 = arith.remsi %select_n3A_473, %jit3A_480 : i32
        %ne3A_498 = arith.constant 0 : i32
        %ne3A_499 = arith.cmpi ne, %rem3A_497, %ne3A_498 : i32
        %and3A_500 = arith.andi %ne3A_496, %ne3A_499 : i1
        %sub3A_501 = arith.constant 1 : i32
        %sub3A_502 = arith.subi %div3A_481, %sub3A_501 : i32
        %select_n3A_503 = arith.select %and3A_500, %sub3A_502, %div3A_481 : i32
        %mul3A_504 = arith.constant 16 : i32
        %mul3A_505 = arith.muli %select_n3A_503, %mul3A_504 : i32
        %get3A = arith.index_cast %select_n3A_457 : i32 to index
        %get3A_506 = arith.index_cast %mul3A_505 : i32 to index
        %get3A_507 = tpu.vector_load %arg11[%get3A, %get3A_506] {strides = array<i32>} : memref<13x64xf32, #tpu.memory_space<vmem>>, vector<16xf32>,
        %jit3A_508 = arith.constant 16 : i32
        %eq3A_509 = arith.constant 0 : i32
        %eq3A_510 = arith.cmpi eq, %jit3A_508, %eq3A_509 : i32
        %jit3A_511 = arith.constant 1 : i32
        %select_n3A_512 = arith.select %eq3A_510, %jit3A_511, %jit3A_508 : i32
        %rem3A_513 = arith.remsi %select_n3A_473, %select_n3A_512 : i32
        %ne3A_514 = arith.constant 0 : i32
        %ne3A_515 = arith.cmpi ne, %rem3A_513, %ne3A_514 : i32
        %lt3A_516 = arith.constant 0 : i32
        %lt3A_517 = arith.cmpi slt, %rem3A_513, %lt3A_516 : i32
        %lt3A_518 = arith.constant 0 : i32
        %lt3A_519 = arith.cmpi slt, %select_n3A_512, %lt3A_518 : i32
        %ne3A_520 = arith.xori %lt3A_517, %lt3A_519 : i1
        %and3A_521 = arith.andi %ne3A_520, %ne3A_515 : i1
        %add3A_522 = arith.addi %rem3A_513, %select_n3A_512 : i32
        %select_n3A_523 = arith.select %and3A_521, %add3A_522, %rem3A_513 : i32
        %broadcast_in_dim3A = arith.constant 1 : i32
        %broadcast_in_dim3A_524 = vector.broadcast %broadcast_in_dim3A : i32 to vector<16x1xi32>
        %mul3A_525 = vector.broadcast %select_n3A_523 : i32 to vector<16x1xi32>
        %mul3A_526 = arith.muli %broadcast_in_dim3A_524, %mul3A_525 : vector<16x1xi32>
        %gather3A = vector.shape_cast %mul3A_526 : vector<16x1xi32> to vector<16xi32>
        %gather3A_527 = tpu.dynamic_gather %get3A_507[%gather3A] in [0] : vector<16xf32>, vector<16xi32> -> vector<16xf32>
        %scan3A_528 = arith.constant 0 : i32
        %scan3A_529 = arith.constant 0 : i32
        %scan3A_530 = arith.constant 256 : i32
        %scan3A_531 = arith.addi %scan3A_529, %scan3A_530 : i32
        %scan3A_532 = arith.constant 1 : i32
        scf.for %scan3A_546 = %scan3A_529 to %scan3A_531 step %scan3A_532  : i32 {
          %mul3A_547 = arith.constant 16 : i32
          %mul3A_548 = arith.muli %scan3A_546, %mul3A_547 : i32
          %get3A_549 = arith.index_cast %mul3A_548 : i32 to index
          %get3A_550 = tpu.vector_load %arg8[%get3A_549] {strides = array<i32>} : memref<4096xi32, #tpu.memory_space<vmem>>, vector<16xi32>,
          %convert_element_type3A_551 = arith.sitofp %get3A_550 : vector<16xi32> to vector<16xf32>
          %mul3A_552 = arith.mulf %convert_element_type3A_551, %gather3A_527 : vector<16xf32>
          %mul3A_553 = arith.constant 16 : i32
          %mul3A_554 = arith.muli %scan3A_546, %mul3A_553 : i32
          %swap3A = arith.index_cast %mul3A_554 : i32 to index
          %swap3A_555 = tpu.vector_load %arg10[%swap3A] {strides = array<i32>} : memref<4096xf32, #tpu.memory_space<vmem>>, vector<16xf32>,
          tpu.vector_store %arg10[%swap3A], %mul3A_552 {strides = array<i32>} : memref<4096xf32, #tpu.memory_space<vmem>>, vector<16xf32>,
        }
        %scan3A_533 = arith.constant 256 : i32
        %dma_start3A_534 = arith.constant 0 : i32
        %dma_start3A_535 = tpu.memref_slice %arg5[%select_n3A_457, %select_n3A_473, %dma_start3A_534] : memref<39x64x4096xf32, #tpu.memory_space<hbm>> -> memref<1x1x4096xf32, #tpu.memory_space<hbm>>
        %dma_start3A_536 = tpu.memref_squeeze %dma_start3A_535 : memref<1x1x4096xf32, #tpu.memory_space<hbm>> -> memref<4096xf32, #tpu.memory_space<hbm>>
        %dma_start3A_537 = arith.constant 0 : i32
        %dma_start3A_538 = tpu.memref_slice %arg5[%select_n3A_457, %select_n3A_473, %dma_start3A_537] : memref<39x64x4096xf32, #tpu.memory_space<hbm>> -> memref<1x1x4096xf32, #tpu.memory_space<hbm>>
        %dma_start3A_539 = tpu.memref_squeeze %dma_start3A_538 : memref<1x1x4096xf32, #tpu.memory_space<hbm>> -> memref<4096xf32, #tpu.memory_space<hbm>>
        tpu.enqueue_dma source(%arg10 : memref<4096xf32, #tpu.memory_space<vmem>>) target(%dma_start3A_539 : memref<4096xf32, #tpu.memory_space<hbm>>) target_semaphore(%arg15 : memref<!tpu.dma_semaphore, #tpu.memory_space<semaphore_mem>>)
        %dma_wait3A_540 = arith.constant 0 : i32
        %dma_wait3A_541 = tpu.memref_slice %arg5[%select_n3A_457, %select_n3A_473, %dma_wait3A_540] : memref<39x64x4096xf32, #tpu.memory_space<hbm>> -> memref<1x1x4096xf32, #tpu.memory_space<hbm>>
        %dma_wait3A_542 = tpu.memref_squeeze %dma_wait3A_541 : memref<1x1x4096xf32, #tpu.memory_space<hbm>> -> memref<4096xf32, #tpu.memory_space<hbm>>
        %dma_wait3A_543 = arith.constant 0 : i32
        %dma_wait3A_544 = tpu.memref_slice %arg5[%select_n3A_457, %select_n3A_473, %dma_wait3A_543] : memref<39x64x4096xf32, #tpu.memory_space<hbm>> -> memref<1x1x4096xf32, #tpu.memory_space<hbm>>
        %dma_wait3A_545 = tpu.memref_squeeze %dma_wait3A_544 : memref<1x1x4096xf32, #tpu.memory_space<hbm>> -> memref<4096xf32, #tpu.memory_space<hbm>>
        tpu.wait_dma2 semaphore(%arg15 : memref<!tpu.dma_semaphore, #tpu.memory_space<semaphore_mem>>) src(%arg10 : memref<4096xf32, #tpu.memory_space<vmem>>) dst(%dma_wait3A_545 : memref<4096xf32, #tpu.memory_space<hbm>>)
      } else {
      }
      %eq3A_207 = arith.constant 0 : i32
      %eq3A_208 = arith.cmpi eq, %mul3A_162, %eq3A_207 : i32
      %eq3A_209 = arith.constant 0 : i32
      %eq3A_210 = arith.cmpi eq, %select_n3A_203, %eq3A_209 : i32
      %or3A = arith.ori %eq3A_208, %eq3A_210 : i1
      %convert_element_type3A_211 = arith.extui %or3A : i1 to i32
      %cond3A_212 = arith.constant 0 : i32
      %cond3A_213 = arith.cmpi ne, %convert_element_type3A_211, %cond3A_212 : i32
      scf.if %cond3A_213 {
        %add3A_431 = arith.constant 13 : i32
        %add3A_432 = arith.addi %add3A_431, %select_n3A_187 : i32
        "tpu.region"() ({
          %run_scoped3A = tpu.sem_alloc : memref<!tpu.dma_semaphore, #tpu.memory_space<semaphore_mem>>
          %dma_start3A_433 = arith.constant 0 : i32
          %dma_start3A_434 = tpu.memref_slice %arg2[%add3A_432, %dma_start3A_433] : memref<39x4096xi32, #tpu.memory_space<hbm>> -> memref<1x4096xi32, #tpu.memory_space<hbm>>
          %dma_start3A_435 = tpu.memref_squeeze %dma_start3A_434 : memref<1x4096xi32, #tpu.memory_space<hbm>> -> memref<4096xi32, #tpu.memory_space<hbm>>
          %dma_start3A_436 = arith.constant 0 : i32
          %dma_start3A_437 = tpu.memref_slice %arg2[%add3A_432, %dma_start3A_436] : memref<39x4096xi32, #tpu.memory_space<hbm>> -> memref<1x4096xi32, #tpu.memory_space<hbm>>
          %dma_start3A_438 = tpu.memref_squeeze %dma_start3A_437 : memref<1x4096xi32, #tpu.memory_space<hbm>> -> memref<4096xi32, #tpu.memory_space<hbm>>
          tpu.enqueue_dma source(%dma_start3A_438 : memref<4096xi32, #tpu.memory_space<hbm>>) target(%arg7 : memref<4096xi32, #tpu.memory_space<vmem>>) target_semaphore(%run_scoped3A : memref<!tpu.dma_semaphore, #tpu.memory_space<semaphore_mem>>)
          %dma_wait3A_439 = arith.constant 0 : i32
          %dma_wait3A_440 = tpu.memref_slice %arg2[%add3A_432, %dma_wait3A_439] : memref<39x4096xi32, #tpu.memory_space<hbm>> -> memref<1x4096xi32, #tpu.memory_space<hbm>>
          %dma_wait3A_441 = tpu.memref_squeeze %dma_wait3A_440 : memref<1x4096xi32, #tpu.memory_space<hbm>> -> memref<4096xi32, #tpu.memory_space<hbm>>
          %dma_wait3A_442 = arith.constant 0 : i32
          %dma_wait3A_443 = tpu.memref_slice %arg2[%add3A_432, %dma_wait3A_442] : memref<39x4096xi32, #tpu.memory_space<hbm>> -> memref<1x4096xi32, #tpu.memory_space<hbm>>
          %dma_wait3A_444 = tpu.memref_squeeze %dma_wait3A_443 : memref<1x4096xi32, #tpu.memory_space<hbm>> -> memref<4096xi32, #tpu.memory_space<hbm>>
          tpu.wait_dma2 semaphore(%run_scoped3A : memref<!tpu.dma_semaphore, #tpu.memory_space<semaphore_mem>>) src(%dma_wait3A_444 : memref<4096xi32, #tpu.memory_space<hbm>>) dst(%arg7 : memref<4096xi32, #tpu.memory_space<vmem>>)
          tpu.yield
        }) : () -> ()
      } else {
      }
      %ge3A = arith.constant 2 : i32
      %ge3A_214 = arith.cmpi sge, %mul3A_162, %ge3A : i32
      %convert_element_type3A_215 = arith.extui %ge3A_214 : i1 to i32
      %cond3A_216 = arith.constant 0 : i32
      %cond3A_217 = arith.cmpi ne, %convert_element_type3A_215, %cond3A_216 : i32
      scf.if %cond3A_217 {
        %sub3A_431 = arith.constant 2 : i32
        %sub3A_432 = arith.subi %mul3A_162, %sub3A_431 : i32
        %add3A_433 = arith.addi %mul3A_2, %sub3A_432 : i32
        %jit3A_434 = arith.constant 64 : i32
        %div3A_435 = arith.divsi %add3A_433, %jit3A_434 : i32
        %sign3A_436 = arith.constant 0 : i32
        %sign3A_437 = arith.cmpi sgt, %add3A_433, %sign3A_436 : i32
        %sign3A_438 = arith.extui %sign3A_437 : i1 to i32
        %sign3A_439 = arith.constant 0 : i32
        %sign3A_440 = arith.cmpi slt, %add3A_433, %sign3A_439 : i32
        %sign3A_441 = arith.extui %sign3A_440 : i1 to i32
        %sign3A_442 = arith.subi %sign3A_438, %sign3A_441 : i32
        %sign3A_443 = arith.constant 0 : i32
        %sign3A_444 = arith.cmpi sgt, %jit3A_434, %sign3A_443 : i32
        %sign3A_445 = arith.extui %sign3A_444 : i1 to i32
        %sign3A_446 = arith.constant 0 : i32
        %sign3A_447 = arith.cmpi slt, %jit3A_434, %sign3A_446 : i32
        %sign3A_448 = arith.extui %sign3A_447 : i1 to i32
        %sign3A_449 = arith.subi %sign3A_445, %sign3A_448 : i32
        %ne3A_450 = arith.cmpi ne, %sign3A_442, %sign3A_449 : i32
        %rem3A_451 = arith.remsi %add3A_433, %jit3A_434 : i32
        %ne3A_452 = arith.constant 0 : i32
        %ne3A_453 = arith.cmpi ne, %rem3A_451, %ne3A_452 : i32
        %and3A_454 = arith.andi %ne3A_450, %ne3A_453 : i1
        %sub3A_455 = arith.constant 1 : i32
        %sub3A_456 = arith.subi %div3A_435, %sub3A_455 : i32
        %select_n3A_457 = arith.select %and3A_454, %sub3A_456, %div3A_435 : i32
        %jit3A_458 = arith.constant 64 : i32
        %eq3A_459 = arith.constant 0 : i32
        %eq3A_460 = arith.cmpi eq, %jit3A_458, %eq3A_459 : i32
        %jit3A_461 = arith.constant 1 : i32
        %select_n3A_462 = arith.select %eq3A_460, %jit3A_461, %jit3A_458 : i32
        %rem3A_463 = arith.remsi %add3A_433, %select_n3A_462 : i32
        %ne3A_464 = arith.constant 0 : i32
        %ne3A_465 = arith.cmpi ne, %rem3A_463, %ne3A_464 : i32
        %lt3A_466 = arith.constant 0 : i32
        %lt3A_467 = arith.cmpi slt, %rem3A_463, %lt3A_466 : i32
        %lt3A_468 = arith.constant 0 : i32
        %lt3A_469 = arith.cmpi slt, %select_n3A_462, %lt3A_468 : i32
        %ne3A_470 = arith.xori %lt3A_467, %lt3A_469 : i1
        %and3A_471 = arith.andi %ne3A_470, %ne3A_465 : i1
        %add3A_472 = arith.addi %rem3A_463, %select_n3A_462 : i32
        %select_n3A_473 = arith.select %and3A_471, %add3A_472, %rem3A_463 : i32
        %add3A_474 = arith.constant 13 : i32
        %add3A_475 = arith.addi %add3A_474, %select_n3A_457 : i32
        %dma_wait3A_476 = arith.constant 0 : i32
        %dma_wait3A_477 = arith.constant 0 : i32
        %dma_wait3A_478 = tpu.memref_slice %arg9[%dma_wait3A_476, %dma_wait3A_477] : memref<2x4096xf32, #tpu.memory_space<vmem>> -> memref<1x4096xf32, #tpu.memory_space<vmem>>
        %dma_wait3A_479 = tpu.memref_squeeze %dma_wait3A_478 : memref<1x4096xf32, #tpu.memory_space<vmem>> -> memref<4096xf32, #tpu.memory_space<vmem>>
        %dma_wait3A_480 = arith.constant 0 : i32
        %dma_wait3A_481 = tpu.memref_slice %arg5[%add3A_475, %select_n3A_473, %dma_wait3A_480] : memref<39x64x4096xf32, #tpu.memory_space<hbm>> -> memref<1x1x4096xf32, #tpu.memory_space<hbm>>
        %dma_wait3A_482 = tpu.memref_squeeze %dma_wait3A_481 : memref<1x1x4096xf32, #tpu.memory_space<hbm>> -> memref<4096xf32, #tpu.memory_space<hbm>>
        %dma_wait3A_483 = arith.constant 0 : i32
        %dma_wait3A_484 = tpu.memref_slice %arg5[%add3A_475, %select_n3A_473, %dma_wait3A_483] : memref<39x64x4096xf32, #tpu.memory_space<hbm>> -> memref<1x1x4096xf32, #tpu.memory_space<hbm>>
        %dma_wait3A_485 = tpu.memref_squeeze %dma_wait3A_484 : memref<1x1x4096xf32, #tpu.memory_space<hbm>> -> memref<4096xf32, #tpu.memory_space<hbm>>
        %dma_wait3A_486 = arith.constant 0 : i32
        %dma_wait3A_487 = tpu.memref_slice %arg9[%dma_wait3A_476, %dma_wait3A_486] : memref<2x4096xf32, #tpu.memory_space<vmem>> -> memref<1x4096xf32, #tpu.memory_space<vmem>>
        %dma_wait3A_488 = tpu.memref_squeeze %dma_wait3A_487 : memref<1x4096xf32, #tpu.memory_space<vmem>> -> memref<4096xf32, #tpu.memory_space<vmem>>
        tpu.wait_dma2 semaphore(%arg13 : memref<!tpu.dma_semaphore, #tpu.memory_space<semaphore_mem>>) src(%dma_wait3A_488 : memref<4096xf32, #tpu.memory_space<vmem>>) dst(%dma_wait3A_485 : memref<4096xf32, #tpu.memory_space<hbm>>)
      } else {
      }
      %add3A_218 = arith.addi %mul3A_2, %mul3A_162 : i32
      %jit3A_219 = arith.constant 64 : i32
      %div3A_220 = arith.divsi %add3A_218, %jit3A_219 : i32
      %sign3A_221 = arith.constant 0 : i32
      %sign3A_222 = arith.cmpi sgt, %add3A_218, %sign3A_221 : i32
      %sign3A_223 = arith.extui %sign3A_222 : i1 to i32
      %sign3A_224 = arith.constant 0 : i32
      %sign3A_225 = arith.cmpi slt, %add3A_218, %sign3A_224 : i32
      %sign3A_226 = arith.extui %sign3A_225 : i1 to i32
      %sign3A_227 = arith.subi %sign3A_223, %sign3A_226 : i32
      %sign3A_228 = arith.constant 0 : i32
      %sign3A_229 = arith.cmpi sgt, %jit3A_219, %sign3A_228 : i32
      %sign3A_230 = arith.extui %sign3A_229 : i1 to i32
      %sign3A_231 = arith.constant 0 : i32
      %sign3A_232 = arith.cmpi slt, %jit3A_219, %sign3A_231 : i32
      %sign3A_233 = arith.extui %sign3A_232 : i1 to i32
      %sign3A_234 = arith.subi %sign3A_230, %sign3A_233 : i32
      %ne3A_235 = arith.cmpi ne, %sign3A_227, %sign3A_234 : i32
      %rem3A_236 = arith.remsi %add3A_218, %jit3A_219 : i32
      %ne3A_237 = arith.constant 0 : i32
      %ne3A_238 = arith.cmpi ne, %rem3A_236, %ne3A_237 : i32
      %and3A_239 = arith.andi %ne3A_235, %ne3A_238 : i1
      %sub3A_240 = arith.constant 1 : i32
      %sub3A_241 = arith.subi %div3A_220, %sub3A_240 : i32
      %select_n3A_242 = arith.select %and3A_239, %sub3A_241, %div3A_220 : i32
      %jit3A_243 = arith.constant 64 : i32
      %eq3A_244 = arith.constant 0 : i32
      %eq3A_245 = arith.cmpi eq, %jit3A_243, %eq3A_244 : i32
      %jit3A_246 = arith.constant 1 : i32
      %select_n3A_247 = arith.select %eq3A_245, %jit3A_246, %jit3A_243 : i32
      %rem3A_248 = arith.remsi %add3A_218, %select_n3A_247 : i32
      %ne3A_249 = arith.constant 0 : i32
      %ne3A_250 = arith.cmpi ne, %rem3A_248, %ne3A_249 : i32
      %lt3A_251 = arith.constant 0 : i32
      %lt3A_252 = arith.cmpi slt, %rem3A_248, %lt3A_251 : i32
      %lt3A_253 = arith.constant 0 : i32
      %lt3A_254 = arith.cmpi slt, %select_n3A_247, %lt3A_253 : i32
      %ne3A_255 = arith.xori %lt3A_252, %lt3A_254 : i1
      %and3A_256 = arith.andi %ne3A_255, %ne3A_250 : i1
      %add3A_257 = arith.addi %rem3A_248, %select_n3A_247 : i32
      %select_n3A_258 = arith.select %and3A_256, %add3A_257, %rem3A_248 : i32
      %dma_wait3A_259 = arith.constant 0 : i32
      %dma_wait3A_260 = tpu.memref_slice %arg3[%select_n3A_242, %select_n3A_258, %dma_wait3A_259] : memref<26x64x100000xf32, #tpu.memory_space<hbm>> -> memref<1x1x100000xf32, #tpu.memory_space<hbm>>
      %dma_wait3A_261 = tpu.memref_squeeze %dma_wait3A_260 : memref<1x1x100000xf32, #tpu.memory_space<hbm>> -> memref<100000xf32, #tpu.memory_space<hbm>>
      %dma_wait3A_262 = arith.constant 0 : i32
      %dma_wait3A_263 = tpu.memref_slice %arg3[%select_n3A_242, %select_n3A_258, %dma_wait3A_262] : memref<26x64x100000xf32, #tpu.memory_space<hbm>> -> memref<1x1x100000xf32, #tpu.memory_space<hbm>>
      %dma_wait3A_264 = tpu.memref_squeeze %dma_wait3A_263 : memref<1x1x100000xf32, #tpu.memory_space<hbm>> -> memref<100000xf32, #tpu.memory_space<hbm>>
      tpu.wait_dma2 semaphore(%arg12 : memref<!tpu.dma_semaphore, #tpu.memory_space<semaphore_mem>>) src(%dma_wait3A_264 : memref<100000xf32, #tpu.memory_space<hbm>>) dst(%arg6 : memref<100000xf32, #tpu.memory_space<vmem>>)
      %scan3A_265 = arith.constant 0 : i32
      %scan3A_266 = arith.constant 0 : i32
      %scan3A_267 = arith.constant 64 : i32
      %scan3A_268 = arith.addi %scan3A_266, %scan3A_267 : i32
      %scan3A_269 = arith.constant 1 : i32
      scf.for %scan3A_431 = %scan3A_266 to %scan3A_268 step %scan3A_269  : i32 {
        %mul3A_432 = arith.constant 4 : i32
        %mul3A_433 = arith.muli %scan3A_431, %mul3A_432 : i32
        %add3A_434 = arith.constant 0 : i32
        %add3A_435 = arith.addi %mul3A_433, %add3A_434 : i32
        %mul3A_436 = arith.constant 16 : i32
        %mul3A_437 = arith.muli %add3A_435, %mul3A_436 : i32
        %get3A = arith.index_cast %mul3A_437 : i32 to index
        %get3A_438 = tpu.vector_load %arg7[%get3A] {strides = array<i32>} : memref<4096xi32, #tpu.memory_space<vmem>>, vector<16xi32>,
        %gather3A = tpu.vector_load_idx %arg6[%get3A_438] : memref<100000xf32, #tpu.memory_space<vmem>>[vector<16xi32>], vector<16xf32>,
        %mul3A_439 = arith.constant 4 : i32
        %mul3A_440 = arith.muli %scan3A_431, %mul3A_439 : i32
        %add3A_441 = arith.constant 0 : i32
        %add3A_442 = arith.addi %mul3A_440, %add3A_441 : i32
        %mul3A_443 = arith.constant 16 : i32
        %mul3A_444 = arith.muli %add3A_442, %mul3A_443 : i32
        %swap3A = arith.constant 0 : i32
        %swap3A_445 = arith.index_cast %swap3A : i32 to index
        %swap3A_446 = arith.index_cast %mul3A_444 : i32 to index
        %swap3A_447 = tpu.vector_load %arg9[%swap3A_445, %swap3A_446] {strides = array<i32>} : memref<2x4096xf32, #tpu.memory_space<vmem>>, vector<16xf32>,
        tpu.vector_store %arg9[%swap3A_445, %swap3A_446], %gather3A {strides = array<i32>} : memref<2x4096xf32, #tpu.memory_space<vmem>>, vector<16xf32>,
        %mul3A_448 = arith.constant 4 : i32
        %mul3A_449 = arith.muli %scan3A_431, %mul3A_448 : i32
        %add3A_450 = arith.constant 1 : i32
        %add3A_451 = arith.addi %mul3A_449, %add3A_450 : i32
        %mul3A_452 = arith.constant 16 : i32
        %mul3A_453 = arith.muli %add3A_451, %mul3A_452 : i32
        %get3A_454 = arith.index_cast %mul3A_453 : i32 to index
        %get3A_455 = tpu.vector_load %arg7[%get3A_454] {strides = array<i32>} : memref<4096xi32, #tpu.memory_space<vmem>>, vector<16xi32>,
        %gather3A_456 = tpu.vector_load_idx %arg6[%get3A_455] : memref<100000xf32, #tpu.memory_space<vmem>>[vector<16xi32>], vector<16xf32>,
        %mul3A_457 = arith.constant 4 : i32
        %mul3A_458 = arith.muli %scan3A_431, %mul3A_457 : i32
        %add3A_459 = arith.constant 1 : i32
        %add3A_460 = arith.addi %mul3A_458, %add3A_459 : i32
        %mul3A_461 = arith.constant 16 : i32
        %mul3A_462 = arith.muli %add3A_460, %mul3A_461 : i32
        %swap3A_463 = arith.constant 0 : i32
        %swap3A_464 = arith.index_cast %swap3A_463 : i32 to index
        %swap3A_465 = arith.index_cast %mul3A_462 : i32 to index
        %swap3A_466 = tpu.vector_load %arg9[%swap3A_464, %swap3A_465] {strides = array<i32>} : memref<2x4096xf32, #tpu.memory_space<vmem>>, vector<16xf32>,
        tpu.vector_store %arg9[%swap3A_464, %swap3A_465], %gather3A_456 {strides = array<i32>} : memref<2x4096xf32, #tpu.memory_space<vmem>>, vector<16xf32>,
        %mul3A_467 = arith.constant 4 : i32
        %mul3A_468 = arith.muli %scan3A_431, %mul3A_467 : i32
        %add3A_469 = arith.constant 2 : i32
        %add3A_470 = arith.addi %mul3A_468, %add3A_469 : i32
        %mul3A_471 = arith.constant 16 : i32
        %mul3A_472 = arith.muli %add3A_470, %mul3A_471 : i32
        %get3A_473 = arith.index_cast %mul3A_472 : i32 to index
        %get3A_474 = tpu.vector_load %arg7[%get3A_473] {strides = array<i32>} : memref<4096xi32, #tpu.memory_space<vmem>>, vector<16xi32>,
        %gather3A_475 = tpu.vector_load_idx %arg6[%get3A_474] : memref<100000xf32, #tpu.memory_space<vmem>>[vector<16xi32>], vector<16xf32>,
        %mul3A_476 = arith.constant 4 : i32
        %mul3A_477 = arith.muli %scan3A_431, %mul3A_476 : i32
        %add3A_478 = arith.constant 2 : i32
        %add3A_479 = arith.addi %mul3A_477, %add3A_478 : i32
        %mul3A_480 = arith.constant 16 : i32
        %mul3A_481 = arith.muli %add3A_479, %mul3A_480 : i32
        %swap3A_482 = arith.constant 0 : i32
        %swap3A_483 = arith.index_cast %swap3A_482 : i32 to index
        %swap3A_484 = arith.index_cast %mul3A_481 : i32 to index
        %swap3A_485 = tpu.vector_load %arg9[%swap3A_483, %swap3A_484] {strides = array<i32>} : memref<2x4096xf32, #tpu.memory_space<vmem>>, vector<16xf32>,
        tpu.vector_store %arg9[%swap3A_483, %swap3A_484], %gather3A_475 {strides = array<i32>} : memref<2x4096xf32, #tpu.memory_space<vmem>>, vector<16xf32>,
        %mul3A_486 = arith.constant 4 : i32
        %mul3A_487 = arith.muli %scan3A_431, %mul3A_486 : i32
        %add3A_488 = arith.constant 3 : i32
        %add3A_489 = arith.addi %mul3A_487, %add3A_488 : i32
        %mul3A_490 = arith.constant 16 : i32
        %mul3A_491 = arith.muli %add3A_489, %mul3A_490 : i32
        %get3A_492 = arith.index_cast %mul3A_491 : i32 to index
        %get3A_493 = tpu.vector_load %arg7[%get3A_492] {strides = array<i32>} : memref<4096xi32, #tpu.memory_space<vmem>>, vector<16xi32>,
        %gather3A_494 = tpu.vector_load_idx %arg6[%get3A_493] : memref<100000xf32, #tpu.memory_space<vmem>>[vector<16xi32>], vector<16xf32>,
        %mul3A_495 = arith.constant 4 : i32
        %mul3A_496 = arith.muli %scan3A_431, %mul3A_495 : i32
        %add3A_497 = arith.constant 3 : i32
        %add3A_498 = arith.addi %mul3A_496, %add3A_497 : i32
        %mul3A_499 = arith.constant 16 : i32
        %mul3A_500 = arith.muli %add3A_498, %mul3A_499 : i32
        %swap3A_501 = arith.constant 0 : i32
        %swap3A_502 = arith.index_cast %swap3A_501 : i32 to index
        %swap3A_503 = arith.index_cast %mul3A_500 : i32 to index
        %swap3A_504 = tpu.vector_load %arg9[%swap3A_502, %swap3A_503] {strides = array<i32>} : memref<2x4096xf32, #tpu.memory_space<vmem>>, vector<16xf32>,
        tpu.vector_store %arg9[%swap3A_502, %swap3A_503], %gather3A_494 {strides = array<i32>} : memref<2x4096xf32, #tpu.memory_space<vmem>>, vector<16xf32>,
      }
      %scan3A_270 = arith.constant 64 : i32
      %add3A_271 = arith.constant 1 : i32
      %add3A_272 = arith.addi %mul3A_162, %add3A_271 : i32
      %lt3A_273 = arith.constant 52 : i32
      %lt3A_274 = arith.cmpi slt, %add3A_272, %lt3A_273 : i32
      %convert_element_type3A_275 = arith.extui %lt3A_274 : i1 to i32
      %cond3A_276 = arith.constant 0 : i32
      %cond3A_277 = arith.cmpi ne, %convert_element_type3A_275, %cond3A_276 : i32
      scf.if %cond3A_277 {
        %add3A_431 = arith.constant 1 : i32
        %add3A_432 = arith.addi %mul3A_162, %add3A_431 : i32
        %add3A_433 = arith.addi %mul3A_2, %add3A_432 : i32
        %jit3A_434 = arith.constant 64 : i32
        %div3A_435 = arith.divsi %add3A_433, %jit3A_434 : i32
        %sign3A_436 = arith.constant 0 : i32
        %sign3A_437 = arith.cmpi sgt, %add3A_433, %sign3A_436 : i32
        %sign3A_438 = arith.extui %sign3A_437 : i1 to i32
        %sign3A_439 = arith.constant 0 : i32
        %sign3A_440 = arith.cmpi slt, %add3A_433, %sign3A_439 : i32
        %sign3A_441 = arith.extui %sign3A_440 : i1 to i32
        %sign3A_442 = arith.subi %sign3A_438, %sign3A_441 : i32
        %sign3A_443 = arith.constant 0 : i32
        %sign3A_444 = arith.cmpi sgt, %jit3A_434, %sign3A_443 : i32
        %sign3A_445 = arith.extui %sign3A_444 : i1 to i32
        %sign3A_446 = arith.constant 0 : i32
        %sign3A_447 = arith.cmpi slt, %jit3A_434, %sign3A_446 : i32
        %sign3A_448 = arith.extui %sign3A_447 : i1 to i32
        %sign3A_449 = arith.subi %sign3A_445, %sign3A_448 : i32
        %ne3A_450 = arith.cmpi ne, %sign3A_442, %sign3A_449 : i32
        %rem3A_451 = arith.remsi %add3A_433, %jit3A_434 : i32
        %ne3A_452 = arith.constant 0 : i32
        %ne3A_453 = arith.cmpi ne, %rem3A_451, %ne3A_452 : i32
        %and3A_454 = arith.andi %ne3A_450, %ne3A_453 : i1
        %sub3A_455 = arith.constant 1 : i32
        %sub3A_456 = arith.subi %div3A_435, %sub3A_455 : i32
        %select_n3A_457 = arith.select %and3A_454, %sub3A_456, %div3A_435 : i32
        %jit3A_458 = arith.constant 64 : i32
        %eq3A_459 = arith.constant 0 : i32
        %eq3A_460 = arith.cmpi eq, %jit3A_458, %eq3A_459 : i32
        %jit3A_461 = arith.constant 1 : i32
        %select_n3A_462 = arith.select %eq3A_460, %jit3A_461, %jit3A_458 : i32
        %rem3A_463 = arith.remsi %add3A_433, %select_n3A_462 : i32
        %ne3A_464 = arith.constant 0 : i32
        %ne3A_465 = arith.cmpi ne, %rem3A_463, %ne3A_464 : i32
        %lt3A_466 = arith.constant 0 : i32
        %lt3A_467 = arith.cmpi slt, %rem3A_463, %lt3A_466 : i32
        %lt3A_468 = arith.constant 0 : i32
        %lt3A_469 = arith.cmpi slt, %select_n3A_462, %lt3A_468 : i32
        %ne3A_470 = arith.xori %lt3A_467, %lt3A_469 : i1
        %and3A_471 = arith.andi %ne3A_470, %ne3A_465 : i1
        %add3A_472 = arith.addi %rem3A_463, %select_n3A_462 : i32
        %select_n3A_473 = arith.select %and3A_471, %add3A_472, %rem3A_463 : i32
        %dma_start3A_474 = arith.constant 0 : i32
        %dma_start3A_475 = tpu.memref_slice %arg3[%select_n3A_457, %select_n3A_473, %dma_start3A_474] : memref<26x64x100000xf32, #tpu.memory_space<hbm>> -> memref<1x1x100000xf32, #tpu.memory_space<hbm>>
        %dma_start3A_476 = tpu.memref_squeeze %dma_start3A_475 : memref<1x1x100000xf32, #tpu.memory_space<hbm>> -> memref<100000xf32, #tpu.memory_space<hbm>>
        %dma_start3A_477 = arith.constant 0 : i32
        %dma_start3A_478 = tpu.memref_slice %arg3[%select_n3A_457, %select_n3A_473, %dma_start3A_477] : memref<26x64x100000xf32, #tpu.memory_space<hbm>> -> memref<1x1x100000xf32, #tpu.memory_space<hbm>>
        %dma_start3A_479 = tpu.memref_squeeze %dma_start3A_478 : memref<1x1x100000xf32, #tpu.memory_space<hbm>> -> memref<100000xf32, #tpu.memory_space<hbm>>
        tpu.enqueue_dma source(%dma_start3A_479 : memref<100000xf32, #tpu.memory_space<hbm>>) target(%arg6 : memref<100000xf32, #tpu.memory_space<vmem>>) target_semaphore(%arg12 : memref<!tpu.dma_semaphore, #tpu.memory_space<semaphore_mem>>)
      } else {
      }
      %add3A_278 = arith.constant 13 : i32
      %add3A_279 = arith.addi %add3A_278, %select_n3A_187 : i32
      %dma_start3A_280 = arith.constant 0 : i32
      %dma_start3A_281 = arith.constant 0 : i32
      %dma_start3A_282 = tpu.memref_slice %arg9[%dma_start3A_280, %dma_start3A_281] : memref<2x4096xf32, #tpu.memory_space<vmem>> -> memref<1x4096xf32, #tpu.memory_space<vmem>>
      %dma_start3A_283 = tpu.memref_squeeze %dma_start3A_282 : memref<1x4096xf32, #tpu.memory_space<vmem>> -> memref<4096xf32, #tpu.memory_space<vmem>>
      %dma_start3A_284 = arith.constant 0 : i32
      %dma_start3A_285 = tpu.memref_slice %arg5[%add3A_279, %select_n3A_203, %dma_start3A_284] : memref<39x64x4096xf32, #tpu.memory_space<hbm>> -> memref<1x1x4096xf32, #tpu.memory_space<hbm>>
      %dma_start3A_286 = tpu.memref_squeeze %dma_start3A_285 : memref<1x1x4096xf32, #tpu.memory_space<hbm>> -> memref<4096xf32, #tpu.memory_space<hbm>>
      %dma_start3A_287 = arith.constant 0 : i32
      %dma_start3A_288 = tpu.memref_slice %arg5[%add3A_279, %select_n3A_203, %dma_start3A_287] : memref<39x64x4096xf32, #tpu.memory_space<hbm>> -> memref<1x1x4096xf32, #tpu.memory_space<hbm>>
      %dma_start3A_289 = tpu.memref_squeeze %dma_start3A_288 : memref<1x1x4096xf32, #tpu.memory_space<hbm>> -> memref<4096xf32, #tpu.memory_space<hbm>>
      %dma_start3A_290 = arith.constant 0 : i32
      %dma_start3A_291 = tpu.memref_slice %arg9[%dma_start3A_280, %dma_start3A_290] : memref<2x4096xf32, #tpu.memory_space<vmem>> -> memref<1x4096xf32, #tpu.memory_space<vmem>>
      %dma_start3A_292 = tpu.memref_squeeze %dma_start3A_291 : memref<1x4096xf32, #tpu.memory_space<vmem>> -> memref<4096xf32, #tpu.memory_space<vmem>>
      tpu.enqueue_dma source(%dma_start3A_292 : memref<4096xf32, #tpu.memory_space<vmem>>) target(%dma_start3A_289 : memref<4096xf32, #tpu.memory_space<hbm>>) target_semaphore(%arg13 : memref<!tpu.dma_semaphore, #tpu.memory_space<semaphore_mem>>)
      %mul3A_293 = arith.constant 2 : i32
      %mul3A_294 = arith.muli %mul3A_293, %scan3A_160 : i32
      %add3A_295 = arith.constant 1 : i32
      %add3A_296 = arith.addi %mul3A_294, %add3A_295 : i32
      %add3A_297 = arith.addi %mul3A_2, %add3A_296 : i32
      %jit3A_298 = arith.constant 64 : i32
      %div3A_299 = arith.divsi %add3A_297, %jit3A_298 : i32
      %sign3A_300 = arith.constant 0 : i32
      %sign3A_301 = arith.cmpi sgt, %add3A_297, %sign3A_300 : i32
      %sign3A_302 = arith.extui %sign3A_301 : i1 to i32
      %sign3A_303 = arith.constant 0 : i32
      %sign3A_304 = arith.cmpi slt, %add3A_297, %sign3A_303 : i32
      %sign3A_305 = arith.extui %sign3A_304 : i1 to i32
      %sign3A_306 = arith.subi %sign3A_302, %sign3A_305 : i32
      %sign3A_307 = arith.constant 0 : i32
      %sign3A_308 = arith.cmpi sgt, %jit3A_298, %sign3A_307 : i32
      %sign3A_309 = arith.extui %sign3A_308 : i1 to i32
      %sign3A_310 = arith.constant 0 : i32
      %sign3A_311 = arith.cmpi slt, %jit3A_298, %sign3A_310 : i32
      %sign3A_312 = arith.extui %sign3A_311 : i1 to i32
      %sign3A_313 = arith.subi %sign3A_309, %sign3A_312 : i32
      %ne3A_314 = arith.cmpi ne, %sign3A_306, %sign3A_313 : i32
      %rem3A_315 = arith.remsi %add3A_297, %jit3A_298 : i32
      %ne3A_316 = arith.constant 0 : i32
      %ne3A_317 = arith.cmpi ne, %rem3A_315, %ne3A_316 : i32
      %and3A_318 = arith.andi %ne3A_314, %ne3A_317 : i1
      %sub3A_319 = arith.constant 1 : i32
      %sub3A_320 = arith.subi %div3A_299, %sub3A_319 : i32
      %select_n3A_321 = arith.select %and3A_318, %sub3A_320, %div3A_299 : i32
      %jit3A_322 = arith.constant 64 : i32
      %eq3A_323 = arith.constant 0 : i32
      %eq3A_324 = arith.cmpi eq, %jit3A_322, %eq3A_323 : i32
      %jit3A_325 = arith.constant 1 : i32
      %select_n3A_326 = arith.select %eq3A_324, %jit3A_325, %jit3A_322 : i32
      %rem3A_327 = arith.remsi %add3A_297, %select_n3A_326 : i32
      %ne3A_328 = arith.constant 0 : i32
      %ne3A_329 = arith.cmpi ne, %rem3A_327, %ne3A_328 : i32
      %lt3A_330 = arith.constant 0 : i32
      %lt3A_331 = arith.cmpi slt, %rem3A_327, %lt3A_330 : i32
      %lt3A_332 = arith.constant 0 : i32
      %lt3A_333 = arith.cmpi slt, %select_n3A_326, %lt3A_332 : i32
      %ne3A_334 = arith.xori %lt3A_331, %lt3A_333 : i1
      %and3A_335 = arith.andi %ne3A_334, %ne3A_329 : i1
      %add3A_336 = arith.addi %rem3A_327, %select_n3A_326 : i32
      %select_n3A_337 = arith.select %and3A_335, %add3A_336, %rem3A_327 : i32
      %lt3A_338 = arith.constant 26 : i32
      %lt3A_339 = arith.cmpi slt, %add3A_296, %lt3A_338 : i32
      %convert_element_type3A_340 = arith.extui %lt3A_339 : i1 to i32
      %cond3A_341 = arith.constant 0 : i32
      %cond3A_342 = arith.cmpi ne, %convert_element_type3A_340, %cond3A_341 : i32
      scf.if %cond3A_342 {
        %add3A_431 = arith.addi %mul3A_4, %add3A_296 : i32
        %eq3A_432 = arith.constant 0 : i32
        %eq3A_433 = arith.cmpi eq, %add3A_296, %eq3A_432 : i32
        %jit3A_434 = arith.constant 64 : i32
        %div3A_435 = arith.divsi %add3A_431, %jit3A_434 : i32
        %sign3A_436 = arith.constant 0 : i32
        %sign3A_437 = arith.cmpi sgt, %add3A_431, %sign3A_436 : i32
        %sign3A_438 = arith.extui %sign3A_437 : i1 to i32
        %sign3A_439 = arith.constant 0 : i32
        %sign3A_440 = arith.cmpi slt, %add3A_431, %sign3A_439 : i32
        %sign3A_441 = arith.extui %sign3A_440 : i1 to i32
        %sign3A_442 = arith.subi %sign3A_438, %sign3A_441 : i32
        %sign3A_443 = arith.constant 0 : i32
        %sign3A_444 = arith.cmpi sgt, %jit3A_434, %sign3A_443 : i32
        %sign3A_445 = arith.extui %sign3A_444 : i1 to i32
        %sign3A_446 = arith.constant 0 : i32
        %sign3A_447 = arith.cmpi slt, %jit3A_434, %sign3A_446 : i32
        %sign3A_448 = arith.extui %sign3A_447 : i1 to i32
        %sign3A_449 = arith.subi %sign3A_445, %sign3A_448 : i32
        %ne3A_450 = arith.cmpi ne, %sign3A_442, %sign3A_449 : i32
        %rem3A_451 = arith.remsi %add3A_431, %jit3A_434 : i32
        %ne3A_452 = arith.constant 0 : i32
        %ne3A_453 = arith.cmpi ne, %rem3A_451, %ne3A_452 : i32
        %and3A_454 = arith.andi %ne3A_450, %ne3A_453 : i1
        %sub3A_455 = arith.constant 1 : i32
        %sub3A_456 = arith.subi %div3A_435, %sub3A_455 : i32
        %select_n3A_457 = arith.select %and3A_454, %sub3A_456, %div3A_435 : i32
        %jit3A_458 = arith.constant 64 : i32
        %eq3A_459 = arith.constant 0 : i32
        %eq3A_460 = arith.cmpi eq, %jit3A_458, %eq3A_459 : i32
        %jit3A_461 = arith.constant 1 : i32
        %select_n3A_462 = arith.select %eq3A_460, %jit3A_461, %jit3A_458 : i32
        %rem3A_463 = arith.remsi %add3A_431, %select_n3A_462 : i32
        %ne3A_464 = arith.constant 0 : i32
        %ne3A_465 = arith.cmpi ne, %rem3A_463, %ne3A_464 : i32
        %lt3A_466 = arith.constant 0 : i32
        %lt3A_467 = arith.cmpi slt, %rem3A_463, %lt3A_466 : i32
        %lt3A_468 = arith.constant 0 : i32
        %lt3A_469 = arith.cmpi slt, %select_n3A_462, %lt3A_468 : i32
        %ne3A_470 = arith.xori %lt3A_467, %lt3A_469 : i1
        %and3A_471 = arith.andi %ne3A_470, %ne3A_465 : i1
        %add3A_472 = arith.addi %rem3A_463, %select_n3A_462 : i32
        %select_n3A_473 = arith.select %and3A_471, %add3A_472, %rem3A_463 : i32
        %eq3A_474 = arith.constant 0 : i32
        %eq3A_475 = arith.cmpi eq, %select_n3A_473, %eq3A_474 : i32
        %or3A_476 = arith.ori %eq3A_433, %eq3A_475 : i1
        %convert_element_type3A_477 = arith.extui %or3A_476 : i1 to i32
        %cond3A_478 = arith.constant 0 : i32
        %cond3A_479 = arith.cmpi ne, %convert_element_type3A_477, %cond3A_478 : i32
        scf.if %cond3A_479 {
          "tpu.region"() ({
            %run_scoped3A = tpu.sem_alloc : memref<!tpu.dma_semaphore, #tpu.memory_space<semaphore_mem>>
            %dma_start3A_546 = arith.constant 0 : i32
            %dma_start3A_547 = tpu.memref_slice %arg2[%select_n3A_457, %dma_start3A_546] : memref<39x4096xi32, #tpu.memory_space<hbm>> -> memref<1x4096xi32, #tpu.memory_space<hbm>>
            %dma_start3A_548 = tpu.memref_squeeze %dma_start3A_547 : memref<1x4096xi32, #tpu.memory_space<hbm>> -> memref<4096xi32, #tpu.memory_space<hbm>>
            %dma_start3A_549 = arith.constant 0 : i32
            %dma_start3A_550 = tpu.memref_slice %arg2[%select_n3A_457, %dma_start3A_549] : memref<39x4096xi32, #tpu.memory_space<hbm>> -> memref<1x4096xi32, #tpu.memory_space<hbm>>
            %dma_start3A_551 = tpu.memref_squeeze %dma_start3A_550 : memref<1x4096xi32, #tpu.memory_space<hbm>> -> memref<4096xi32, #tpu.memory_space<hbm>>
            tpu.enqueue_dma source(%dma_start3A_551 : memref<4096xi32, #tpu.memory_space<hbm>>) target(%arg8 : memref<4096xi32, #tpu.memory_space<vmem>>) target_semaphore(%run_scoped3A : memref<!tpu.dma_semaphore, #tpu.memory_space<semaphore_mem>>)
            %dma_wait3A_552 = arith.constant 0 : i32
            %dma_wait3A_553 = tpu.memref_slice %arg2[%select_n3A_457, %dma_wait3A_552] : memref<39x4096xi32, #tpu.memory_space<hbm>> -> memref<1x4096xi32, #tpu.memory_space<hbm>>
            %dma_wait3A_554 = tpu.memref_squeeze %dma_wait3A_553 : memref<1x4096xi32, #tpu.memory_space<hbm>> -> memref<4096xi32, #tpu.memory_space<hbm>>
            %dma_wait3A_555 = arith.constant 0 : i32
            %dma_wait3A_556 = tpu.memref_slice %arg2[%select_n3A_457, %dma_wait3A_555] : memref<39x4096xi32, #tpu.memory_space<hbm>> -> memref<1x4096xi32, #tpu.memory_space<hbm>>
            %dma_wait3A_557 = tpu.memref_squeeze %dma_wait3A_556 : memref<1x4096xi32, #tpu.memory_space<hbm>> -> memref<4096xi32, #tpu.memory_space<hbm>>
            tpu.wait_dma2 semaphore(%run_scoped3A : memref<!tpu.dma_semaphore, #tpu.memory_space<semaphore_mem>>) src(%dma_wait3A_557 : memref<4096xi32, #tpu.memory_space<hbm>>) dst(%arg8 : memref<4096xi32, #tpu.memory_space<vmem>>)
            tpu.yield
          }) : () -> ()
        } else {
        }
        %jit3A_480 = arith.constant 16 : i32
        %div3A_481 = arith.divsi %select_n3A_473, %jit3A_480 : i32
        %sign3A_482 = arith.constant 0 : i32
        %sign3A_483 = arith.cmpi sgt, %select_n3A_473, %sign3A_482 : i32
        %sign3A_484 = arith.extui %sign3A_483 : i1 to i32
        %sign3A_485 = arith.constant 0 : i32
        %sign3A_486 = arith.cmpi slt, %select_n3A_473, %sign3A_485 : i32
        %sign3A_487 = arith.extui %sign3A_486 : i1 to i32
        %sign3A_488 = arith.subi %sign3A_484, %sign3A_487 : i32
        %sign3A_489 = arith.constant 0 : i32
        %sign3A_490 = arith.cmpi sgt, %jit3A_480, %sign3A_489 : i32
        %sign3A_491 = arith.extui %sign3A_490 : i1 to i32
        %sign3A_492 = arith.constant 0 : i32
        %sign3A_493 = arith.cmpi slt, %jit3A_480, %sign3A_492 : i32
        %sign3A_494 = arith.extui %sign3A_493 : i1 to i32
        %sign3A_495 = arith.subi %sign3A_491, %sign3A_494 : i32
        %ne3A_496 = arith.cmpi ne, %sign3A_488, %sign3A_495 : i32
        %rem3A_497 = arith.remsi %select_n3A_473, %jit3A_480 : i32
        %ne3A_498 = arith.constant 0 : i32
        %ne3A_499 = arith.cmpi ne, %rem3A_497, %ne3A_498 : i32
        %and3A_500 = arith.andi %ne3A_496, %ne3A_499 : i1
        %sub3A_501 = arith.constant 1 : i32
        %sub3A_502 = arith.subi %div3A_481, %sub3A_501 : i32
        %select_n3A_503 = arith.select %and3A_500, %sub3A_502, %div3A_481 : i32
        %mul3A_504 = arith.constant 16 : i32
        %mul3A_505 = arith.muli %select_n3A_503, %mul3A_504 : i32
        %get3A = arith.index_cast %select_n3A_457 : i32 to index
        %get3A_506 = arith.index_cast %mul3A_505 : i32 to index
        %get3A_507 = tpu.vector_load %arg11[%get3A, %get3A_506] {strides = array<i32>} : memref<13x64xf32, #tpu.memory_space<vmem>>, vector<16xf32>,
        %jit3A_508 = arith.constant 16 : i32
        %eq3A_509 = arith.constant 0 : i32
        %eq3A_510 = arith.cmpi eq, %jit3A_508, %eq3A_509 : i32
        %jit3A_511 = arith.constant 1 : i32
        %select_n3A_512 = arith.select %eq3A_510, %jit3A_511, %jit3A_508 : i32
        %rem3A_513 = arith.remsi %select_n3A_473, %select_n3A_512 : i32
        %ne3A_514 = arith.constant 0 : i32
        %ne3A_515 = arith.cmpi ne, %rem3A_513, %ne3A_514 : i32
        %lt3A_516 = arith.constant 0 : i32
        %lt3A_517 = arith.cmpi slt, %rem3A_513, %lt3A_516 : i32
        %lt3A_518 = arith.constant 0 : i32
        %lt3A_519 = arith.cmpi slt, %select_n3A_512, %lt3A_518 : i32
        %ne3A_520 = arith.xori %lt3A_517, %lt3A_519 : i1
        %and3A_521 = arith.andi %ne3A_520, %ne3A_515 : i1
        %add3A_522 = arith.addi %rem3A_513, %select_n3A_512 : i32
        %select_n3A_523 = arith.select %and3A_521, %add3A_522, %rem3A_513 : i32
        %broadcast_in_dim3A = arith.constant 1 : i32
        %broadcast_in_dim3A_524 = vector.broadcast %broadcast_in_dim3A : i32 to vector<16x1xi32>
        %mul3A_525 = vector.broadcast %select_n3A_523 : i32 to vector<16x1xi32>
        %mul3A_526 = arith.muli %broadcast_in_dim3A_524, %mul3A_525 : vector<16x1xi32>
        %gather3A = vector.shape_cast %mul3A_526 : vector<16x1xi32> to vector<16xi32>
        %gather3A_527 = tpu.dynamic_gather %get3A_507[%gather3A] in [0] : vector<16xf32>, vector<16xi32> -> vector<16xf32>
        %scan3A_528 = arith.constant 0 : i32
        %scan3A_529 = arith.constant 0 : i32
        %scan3A_530 = arith.constant 256 : i32
        %scan3A_531 = arith.addi %scan3A_529, %scan3A_530 : i32
        %scan3A_532 = arith.constant 1 : i32
        scf.for %scan3A_546 = %scan3A_529 to %scan3A_531 step %scan3A_532  : i32 {
          %mul3A_547 = arith.constant 16 : i32
          %mul3A_548 = arith.muli %scan3A_546, %mul3A_547 : i32
          %get3A_549 = arith.index_cast %mul3A_548 : i32 to index
          %get3A_550 = tpu.vector_load %arg8[%get3A_549] {strides = array<i32>} : memref<4096xi32, #tpu.memory_space<vmem>>, vector<16xi32>,
          %convert_element_type3A_551 = arith.sitofp %get3A_550 : vector<16xi32> to vector<16xf32>
          %mul3A_552 = arith.mulf %convert_element_type3A_551, %gather3A_527 : vector<16xf32>
          %mul3A_553 = arith.constant 16 : i32
          %mul3A_554 = arith.muli %scan3A_546, %mul3A_553 : i32
          %swap3A = arith.index_cast %mul3A_554 : i32 to index
          %swap3A_555 = tpu.vector_load %arg10[%swap3A] {strides = array<i32>} : memref<4096xf32, #tpu.memory_space<vmem>>, vector<16xf32>,
          tpu.vector_store %arg10[%swap3A], %mul3A_552 {strides = array<i32>} : memref<4096xf32, #tpu.memory_space<vmem>>, vector<16xf32>,
        }
        %scan3A_533 = arith.constant 256 : i32
        %dma_start3A_534 = arith.constant 0 : i32
        %dma_start3A_535 = tpu.memref_slice %arg5[%select_n3A_457, %select_n3A_473, %dma_start3A_534] : memref<39x64x4096xf32, #tpu.memory_space<hbm>> -> memref<1x1x4096xf32, #tpu.memory_space<hbm>>
        %dma_start3A_536 = tpu.memref_squeeze %dma_start3A_535 : memref<1x1x4096xf32, #tpu.memory_space<hbm>> -> memref<4096xf32, #tpu.memory_space<hbm>>
        %dma_start3A_537 = arith.constant 0 : i32
        %dma_start3A_538 = tpu.memref_slice %arg5[%select_n3A_457, %select_n3A_473, %dma_start3A_537] : memref<39x64x4096xf32, #tpu.memory_space<hbm>> -> memref<1x1x4096xf32, #tpu.memory_space<hbm>>
        %dma_start3A_539 = tpu.memref_squeeze %dma_start3A_538 : memref<1x1x4096xf32, #tpu.memory_space<hbm>> -> memref<4096xf32, #tpu.memory_space<hbm>>
        tpu.enqueue_dma source(%arg10 : memref<4096xf32, #tpu.memory_space<vmem>>) target(%dma_start3A_539 : memref<4096xf32, #tpu.memory_space<hbm>>) target_semaphore(%arg15 : memref<!tpu.dma_semaphore, #tpu.memory_space<semaphore_mem>>)
        %dma_wait3A_540 = arith.constant 0 : i32
        %dma_wait3A_541 = tpu.memref_slice %arg5[%select_n3A_457, %select_n3A_473, %dma_wait3A_540] : memref<39x64x4096xf32, #tpu.memory_space<hbm>> -> memref<1x1x4096xf32, #tpu.memory_space<hbm>>
        %dma_wait3A_542 = tpu.memref_squeeze %dma_wait3A_541 : memref<1x1x4096xf32, #tpu.memory_space<hbm>> -> memref<4096xf32, #tpu.memory_space<hbm>>
        %dma_wait3A_543 = arith.constant 0 : i32
        %dma_wait3A_544 = tpu.memref_slice %arg5[%select_n3A_457, %select_n3A_473, %dma_wait3A_543] : memref<39x64x4096xf32, #tpu.memory_space<hbm>> -> memref<1x1x4096xf32, #tpu.memory_space<hbm>>
        %dma_wait3A_545 = tpu.memref_squeeze %dma_wait3A_544 : memref<1x1x4096xf32, #tpu.memory_space<hbm>> -> memref<4096xf32, #tpu.memory_space<hbm>>
        tpu.wait_dma2 semaphore(%arg15 : memref<!tpu.dma_semaphore, #tpu.memory_space<semaphore_mem>>) src(%arg10 : memref<4096xf32, #tpu.memory_space<vmem>>) dst(%dma_wait3A_545 : memref<4096xf32, #tpu.memory_space<hbm>>)
      } else {
      }
      %eq3A_343 = arith.constant 0 : i32
      %eq3A_344 = arith.cmpi eq, %add3A_296, %eq3A_343 : i32
      %eq3A_345 = arith.constant 0 : i32
      %eq3A_346 = arith.cmpi eq, %select_n3A_337, %eq3A_345 : i32
      %or3A_347 = arith.ori %eq3A_344, %eq3A_346 : i1
      %convert_element_type3A_348 = arith.extui %or3A_347 : i1 to i32
      %cond3A_349 = arith.constant 0 : i32
      %cond3A_350 = arith.cmpi ne, %convert_element_type3A_348, %cond3A_349 : i32
      scf.if %cond3A_350 {
        %add3A_431 = arith.constant 13 : i32
        %add3A_432 = arith.addi %add3A_431, %select_n3A_321 : i32
        "tpu.region"() ({
          %run_scoped3A = tpu.sem_alloc : memref<!tpu.dma_semaphore, #tpu.memory_space<semaphore_mem>>
          %dma_start3A_433 = arith.constant 0 : i32
          %dma_start3A_434 = tpu.memref_slice %arg2[%add3A_432, %dma_start3A_433] : memref<39x4096xi32, #tpu.memory_space<hbm>> -> memref<1x4096xi32, #tpu.memory_space<hbm>>
          %dma_start3A_435 = tpu.memref_squeeze %dma_start3A_434 : memref<1x4096xi32, #tpu.memory_space<hbm>> -> memref<4096xi32, #tpu.memory_space<hbm>>
          %dma_start3A_436 = arith.constant 0 : i32
          %dma_start3A_437 = tpu.memref_slice %arg2[%add3A_432, %dma_start3A_436] : memref<39x4096xi32, #tpu.memory_space<hbm>> -> memref<1x4096xi32, #tpu.memory_space<hbm>>
          %dma_start3A_438 = tpu.memref_squeeze %dma_start3A_437 : memref<1x4096xi32, #tpu.memory_space<hbm>> -> memref<4096xi32, #tpu.memory_space<hbm>>
          tpu.enqueue_dma source(%dma_start3A_438 : memref<4096xi32, #tpu.memory_space<hbm>>) target(%arg7 : memref<4096xi32, #tpu.memory_space<vmem>>) target_semaphore(%run_scoped3A : memref<!tpu.dma_semaphore, #tpu.memory_space<semaphore_mem>>)
          %dma_wait3A_439 = arith.constant 0 : i32
          %dma_wait3A_440 = tpu.memref_slice %arg2[%add3A_432, %dma_wait3A_439] : memref<39x4096xi32, #tpu.memory_space<hbm>> -> memref<1x4096xi32, #tpu.memory_space<hbm>>
          %dma_wait3A_441 = tpu.memref_squeeze %dma_wait3A_440 : memref<1x4096xi32, #tpu.memory_space<hbm>> -> memref<4096xi32, #tpu.memory_space<hbm>>
          %dma_wait3A_442 = arith.constant 0 : i32
          %dma_wait3A_443 = tpu.memref_slice %arg2[%add3A_432, %dma_wait3A_442] : memref<39x4096xi32, #tpu.memory_space<hbm>> -> memref<1x4096xi32, #tpu.memory_space<hbm>>
          %dma_wait3A_444 = tpu.memref_squeeze %dma_wait3A_443 : memref<1x4096xi32, #tpu.memory_space<hbm>> -> memref<4096xi32, #tpu.memory_space<hbm>>
          tpu.wait_dma2 semaphore(%run_scoped3A : memref<!tpu.dma_semaphore, #tpu.memory_space<semaphore_mem>>) src(%dma_wait3A_444 : memref<4096xi32, #tpu.memory_space<hbm>>) dst(%arg7 : memref<4096xi32, #tpu.memory_space<vmem>>)
          tpu.yield
        }) : () -> ()
      } else {
      }
      %ge3A_351 = arith.constant 2 : i32
      %ge3A_352 = arith.cmpi sge, %add3A_296, %ge3A_351 : i32
      %convert_element_type3A_353 = arith.extui %ge3A_352 : i1 to i32
      %cond3A_354 = arith.constant 0 : i32
      %cond3A_355 = arith.cmpi ne, %convert_element_type3A_353, %cond3A_354 : i32
      scf.if %cond3A_355 {
        %sub3A_431 = arith.constant 2 : i32
        %sub3A_432 = arith.subi %add3A_296, %sub3A_431 : i32
        %add3A_433 = arith.addi %mul3A_2, %sub3A_432 : i32
        %jit3A_434 = arith.constant 64 : i32
        %div3A_435 = arith.divsi %add3A_433, %jit3A_434 : i32
        %sign3A_436 = arith.constant 0 : i32
        %sign3A_437 = arith.cmpi sgt, %add3A_433, %sign3A_436 : i32
        %sign3A_438 = arith.extui %sign3A_437 : i1 to i32
        %sign3A_439 = arith.constant 0 : i32
        %sign3A_440 = arith.cmpi slt, %add3A_433, %sign3A_439 : i32
        %sign3A_441 = arith.extui %sign3A_440 : i1 to i32
        %sign3A_442 = arith.subi %sign3A_438, %sign3A_441 : i32
        %sign3A_443 = arith.constant 0 : i32
        %sign3A_444 = arith.cmpi sgt, %jit3A_434, %sign3A_443 : i32
        %sign3A_445 = arith.extui %sign3A_444 : i1 to i32
        %sign3A_446 = arith.constant 0 : i32
        %sign3A_447 = arith.cmpi slt, %jit3A_434, %sign3A_446 : i32
        %sign3A_448 = arith.extui %sign3A_447 : i1 to i32
        %sign3A_449 = arith.subi %sign3A_445, %sign3A_448 : i32
        %ne3A_450 = arith.cmpi ne, %sign3A_442, %sign3A_449 : i32
        %rem3A_451 = arith.remsi %add3A_433, %jit3A_434 : i32
        %ne3A_452 = arith.constant 0 : i32
        %ne3A_453 = arith.cmpi ne, %rem3A_451, %ne3A_452 : i32
        %and3A_454 = arith.andi %ne3A_450, %ne3A_453 : i1
        %sub3A_455 = arith.constant 1 : i32
        %sub3A_456 = arith.subi %div3A_435, %sub3A_455 : i32
        %select_n3A_457 = arith.select %and3A_454, %sub3A_456, %div3A_435 : i32
        %jit3A_458 = arith.constant 64 : i32
        %eq3A_459 = arith.constant 0 : i32
        %eq3A_460 = arith.cmpi eq, %jit3A_458, %eq3A_459 : i32
        %jit3A_461 = arith.constant 1 : i32
        %select_n3A_462 = arith.select %eq3A_460, %jit3A_461, %jit3A_458 : i32
        %rem3A_463 = arith.remsi %add3A_433, %select_n3A_462 : i32
        %ne3A_464 = arith.constant 0 : i32
        %ne3A_465 = arith.cmpi ne, %rem3A_463, %ne3A_464 : i32
        %lt3A_466 = arith.constant 0 : i32
        %lt3A_467 = arith.cmpi slt, %rem3A_463, %lt3A_466 : i32
        %lt3A_468 = arith.constant 0 : i32
        %lt3A_469 = arith.cmpi slt, %select_n3A_462, %lt3A_468 : i32
        %ne3A_470 = arith.xori %lt3A_467, %lt3A_469 : i1
        %and3A_471 = arith.andi %ne3A_470, %ne3A_465 : i1
        %add3A_472 = arith.addi %rem3A_463, %select_n3A_462 : i32
        %select_n3A_473 = arith.select %and3A_471, %add3A_472, %rem3A_463 : i32
        %add3A_474 = arith.constant 13 : i32
        %add3A_475 = arith.addi %add3A_474, %select_n3A_457 : i32
        %dma_wait3A_476 = arith.constant 1 : i32
        %dma_wait3A_477 = arith.constant 0 : i32
        %dma_wait3A_478 = tpu.memref_slice %arg9[%dma_wait3A_476, %dma_wait3A_477] : memref<2x4096xf32, #tpu.memory_space<vmem>> -> memref<1x4096xf32, #tpu.memory_space<vmem>>
        %dma_wait3A_479 = tpu.memref_squeeze %dma_wait3A_478 : memref<1x4096xf32, #tpu.memory_space<vmem>> -> memref<4096xf32, #tpu.memory_space<vmem>>
        %dma_wait3A_480 = arith.constant 0 : i32
        %dma_wait3A_481 = tpu.memref_slice %arg5[%add3A_475, %select_n3A_473, %dma_wait3A_480] : memref<39x64x4096xf32, #tpu.memory_space<hbm>> -> memref<1x1x4096xf32, #tpu.memory_space<hbm>>
        %dma_wait3A_482 = tpu.memref_squeeze %dma_wait3A_481 : memref<1x1x4096xf32, #tpu.memory_space<hbm>> -> memref<4096xf32, #tpu.memory_space<hbm>>
        %dma_wait3A_483 = arith.constant 0 : i32
        %dma_wait3A_484 = tpu.memref_slice %arg5[%add3A_475, %select_n3A_473, %dma_wait3A_483] : memref<39x64x4096xf32, #tpu.memory_space<hbm>> -> memref<1x1x4096xf32, #tpu.memory_space<hbm>>
        %dma_wait3A_485 = tpu.memref_squeeze %dma_wait3A_484 : memref<1x1x4096xf32, #tpu.memory_space<hbm>> -> memref<4096xf32, #tpu.memory_space<hbm>>
        %dma_wait3A_486 = arith.constant 0 : i32
        %dma_wait3A_487 = tpu.memref_slice %arg9[%dma_wait3A_476, %dma_wait3A_486] : memref<2x4096xf32, #tpu.memory_space<vmem>> -> memref<1x4096xf32, #tpu.memory_space<vmem>>
        %dma_wait3A_488 = tpu.memref_squeeze %dma_wait3A_487 : memref<1x4096xf32, #tpu.memory_space<vmem>> -> memref<4096xf32, #tpu.memory_space<vmem>>
        tpu.wait_dma2 semaphore(%arg14 : memref<!tpu.dma_semaphore, #tpu.memory_space<semaphore_mem>>) src(%dma_wait3A_488 : memref<4096xf32, #tpu.memory_space<vmem>>) dst(%dma_wait3A_485 : memref<4096xf32, #tpu.memory_space<hbm>>)
      } else {
      }
      %add3A_356 = arith.addi %mul3A_2, %add3A_296 : i32
      %jit3A_357 = arith.constant 64 : i32
      %div3A_358 = arith.divsi %add3A_356, %jit3A_357 : i32
      %sign3A_359 = arith.constant 0 : i32
      %sign3A_360 = arith.cmpi sgt, %add3A_356, %sign3A_359 : i32
      %sign3A_361 = arith.extui %sign3A_360 : i1 to i32
      %sign3A_362 = arith.constant 0 : i32
      %sign3A_363 = arith.cmpi slt, %add3A_356, %sign3A_362 : i32
      %sign3A_364 = arith.extui %sign3A_363 : i1 to i32
      %sign3A_365 = arith.subi %sign3A_361, %sign3A_364 : i32
      %sign3A_366 = arith.constant 0 : i32
      %sign3A_367 = arith.cmpi sgt, %jit3A_357, %sign3A_366 : i32
      %sign3A_368 = arith.extui %sign3A_367 : i1 to i32
      %sign3A_369 = arith.constant 0 : i32
      %sign3A_370 = arith.cmpi slt, %jit3A_357, %sign3A_369 : i32
      %sign3A_371 = arith.extui %sign3A_370 : i1 to i32
      %sign3A_372 = arith.subi %sign3A_368, %sign3A_371 : i32
      %ne3A_373 = arith.cmpi ne, %sign3A_365, %sign3A_372 : i32
      %rem3A_374 = arith.remsi %add3A_356, %jit3A_357 : i32
      %ne3A_375 = arith.constant 0 : i32
      %ne3A_376 = arith.cmpi ne, %rem3A_374, %ne3A_375 : i32
      %and3A_377 = arith.andi %ne3A_373, %ne3A_376 : i1
      %sub3A_378 = arith.constant 1 : i32
      %sub3A_379 = arith.subi %div3A_358, %sub3A_378 : i32
      %select_n3A_380 = arith.select %and3A_377, %sub3A_379, %div3A_358 : i32
      %jit3A_381 = arith.constant 64 : i32
      %eq3A_382 = arith.constant 0 : i32
      %eq3A_383 = arith.cmpi eq, %jit3A_381, %eq3A_382 : i32
      %jit3A_384 = arith.constant 1 : i32
      %select_n3A_385 = arith.select %eq3A_383, %jit3A_384, %jit3A_381 : i32
      %rem3A_386 = arith.remsi %add3A_356, %select_n3A_385 : i32
      %ne3A_387 = arith.constant 0 : i32
      %ne3A_388 = arith.cmpi ne, %rem3A_386, %ne3A_387 : i32
      %lt3A_389 = arith.constant 0 : i32
      %lt3A_390 = arith.cmpi slt, %rem3A_386, %lt3A_389 : i32
      %lt3A_391 = arith.constant 0 : i32
      %lt3A_392 = arith.cmpi slt, %select_n3A_385, %lt3A_391 : i32
      %ne3A_393 = arith.xori %lt3A_390, %lt3A_392 : i1
      %and3A_394 = arith.andi %ne3A_393, %ne3A_388 : i1
      %add3A_395 = arith.addi %rem3A_386, %select_n3A_385 : i32
      %select_n3A_396 = arith.select %and3A_394, %add3A_395, %rem3A_386 : i32
      %dma_wait3A_397 = arith.constant 0 : i32
      %dma_wait3A_398 = tpu.memref_slice %arg3[%select_n3A_380, %select_n3A_396, %dma_wait3A_397] : memref<26x64x100000xf32, #tpu.memory_space<hbm>> -> memref<1x1x100000xf32, #tpu.memory_space<hbm>>
      %dma_wait3A_399 = tpu.memref_squeeze %dma_wait3A_398 : memref<1x1x100000xf32, #tpu.memory_space<hbm>> -> memref<100000xf32, #tpu.memory_space<hbm>>
      %dma_wait3A_400 = arith.constant 0 : i32
      %dma_wait3A_401 = tpu.memref_slice %arg3[%select_n3A_380, %select_n3A_396, %dma_wait3A_400] : memref<26x64x100000xf32, #tpu.memory_space<hbm>> -> memref<1x1x100000xf32, #tpu.memory_space<hbm>>
      %dma_wait3A_402 = tpu.memref_squeeze %dma_wait3A_401 : memref<1x1x100000xf32, #tpu.memory_space<hbm>> -> memref<100000xf32, #tpu.memory_space<hbm>>
      tpu.wait_dma2 semaphore(%arg12 : memref<!tpu.dma_semaphore, #tpu.memory_space<semaphore_mem>>) src(%dma_wait3A_402 : memref<100000xf32, #tpu.memory_space<hbm>>) dst(%arg6 : memref<100000xf32, #tpu.memory_space<vmem>>)
      %scan3A_403 = arith.constant 0 : i32
      %scan3A_404 = arith.constant 0 : i32
      %scan3A_405 = arith.constant 64 : i32
      %scan3A_406 = arith.addi %scan3A_404, %scan3A_405 : i32
      %scan3A_407 = arith.constant 1 : i32
      scf.for %scan3A_431 = %scan3A_404 to %scan3A_406 step %scan3A_407  : i32 {
        %mul3A_432 = arith.constant 4 : i32
        %mul3A_433 = arith.muli %scan3A_431, %mul3A_432 : i32
        %add3A_434 = arith.constant 0 : i32
        %add3A_435 = arith.addi %mul3A_433, %add3A_434 : i32
        %mul3A_436 = arith.constant 16 : i32
        %mul3A_437 = arith.muli %add3A_435, %mul3A_436 : i32
        %get3A = arith.index_cast %mul3A_437 : i32 to index
        %get3A_438 = tpu.vector_load %arg7[%get3A] {strides = array<i32>} : memref<4096xi32, #tpu.memory_space<vmem>>, vector<16xi32>,
        %gather3A = tpu.vector_load_idx %arg6[%get3A_438] : memref<100000xf32, #tpu.memory_space<vmem>>[vector<16xi32>], vector<16xf32>,
        %mul3A_439 = arith.constant 4 : i32
        %mul3A_440 = arith.muli %scan3A_431, %mul3A_439 : i32
        %add3A_441 = arith.constant 0 : i32
        %add3A_442 = arith.addi %mul3A_440, %add3A_441 : i32
        %mul3A_443 = arith.constant 16 : i32
        %mul3A_444 = arith.muli %add3A_442, %mul3A_443 : i32
        %swap3A = arith.constant 1 : i32
        %swap3A_445 = arith.index_cast %swap3A : i32 to index
        %swap3A_446 = arith.index_cast %mul3A_444 : i32 to index
        %swap3A_447 = tpu.vector_load %arg9[%swap3A_445, %swap3A_446] {strides = array<i32>} : memref<2x4096xf32, #tpu.memory_space<vmem>>, vector<16xf32>,
        tpu.vector_store %arg9[%swap3A_445, %swap3A_446], %gather3A {strides = array<i32>} : memref<2x4096xf32, #tpu.memory_space<vmem>>, vector<16xf32>,
        %mul3A_448 = arith.constant 4 : i32
        %mul3A_449 = arith.muli %scan3A_431, %mul3A_448 : i32
        %add3A_450 = arith.constant 1 : i32
        %add3A_451 = arith.addi %mul3A_449, %add3A_450 : i32
        %mul3A_452 = arith.constant 16 : i32
        %mul3A_453 = arith.muli %add3A_451, %mul3A_452 : i32
        %get3A_454 = arith.index_cast %mul3A_453 : i32 to index
        %get3A_455 = tpu.vector_load %arg7[%get3A_454] {strides = array<i32>} : memref<4096xi32, #tpu.memory_space<vmem>>, vector<16xi32>,
        %gather3A_456 = tpu.vector_load_idx %arg6[%get3A_455] : memref<100000xf32, #tpu.memory_space<vmem>>[vector<16xi32>], vector<16xf32>,
        %mul3A_457 = arith.constant 4 : i32
        %mul3A_458 = arith.muli %scan3A_431, %mul3A_457 : i32
        %add3A_459 = arith.constant 1 : i32
        %add3A_460 = arith.addi %mul3A_458, %add3A_459 : i32
        %mul3A_461 = arith.constant 16 : i32
        %mul3A_462 = arith.muli %add3A_460, %mul3A_461 : i32
        %swap3A_463 = arith.constant 1 : i32
        %swap3A_464 = arith.index_cast %swap3A_463 : i32 to index
        %swap3A_465 = arith.index_cast %mul3A_462 : i32 to index
        %swap3A_466 = tpu.vector_load %arg9[%swap3A_464, %swap3A_465] {strides = array<i32>} : memref<2x4096xf32, #tpu.memory_space<vmem>>, vector<16xf32>,
        tpu.vector_store %arg9[%swap3A_464, %swap3A_465], %gather3A_456 {strides = array<i32>} : memref<2x4096xf32, #tpu.memory_space<vmem>>, vector<16xf32>,
        %mul3A_467 = arith.constant 4 : i32
        %mul3A_468 = arith.muli %scan3A_431, %mul3A_467 : i32
        %add3A_469 = arith.constant 2 : i32
        %add3A_470 = arith.addi %mul3A_468, %add3A_469 : i32
        %mul3A_471 = arith.constant 16 : i32
        %mul3A_472 = arith.muli %add3A_470, %mul3A_471 : i32
        %get3A_473 = arith.index_cast %mul3A_472 : i32 to index
        %get3A_474 = tpu.vector_load %arg7[%get3A_473] {strides = array<i32>} : memref<4096xi32, #tpu.memory_space<vmem>>, vector<16xi32>,
        %gather3A_475 = tpu.vector_load_idx %arg6[%get3A_474] : memref<100000xf32, #tpu.memory_space<vmem>>[vector<16xi32>], vector<16xf32>,
        %mul3A_476 = arith.constant 4 : i32
        %mul3A_477 = arith.muli %scan3A_431, %mul3A_476 : i32
        %add3A_478 = arith.constant 2 : i32
        %add3A_479 = arith.addi %mul3A_477, %add3A_478 : i32
        %mul3A_480 = arith.constant 16 : i32
        %mul3A_481 = arith.muli %add3A_479, %mul3A_480 : i32
        %swap3A_482 = arith.constant 1 : i32
        %swap3A_483 = arith.index_cast %swap3A_482 : i32 to index
        %swap3A_484 = arith.index_cast %mul3A_481 : i32 to index
        %swap3A_485 = tpu.vector_load %arg9[%swap3A_483, %swap3A_484] {strides = array<i32>} : memref<2x4096xf32, #tpu.memory_space<vmem>>, vector<16xf32>,
        tpu.vector_store %arg9[%swap3A_483, %swap3A_484], %gather3A_475 {strides = array<i32>} : memref<2x4096xf32, #tpu.memory_space<vmem>>, vector<16xf32>,
        %mul3A_486 = arith.constant 4 : i32
        %mul3A_487 = arith.muli %scan3A_431, %mul3A_486 : i32
        %add3A_488 = arith.constant 3 : i32
        %add3A_489 = arith.addi %mul3A_487, %add3A_488 : i32
        %mul3A_490 = arith.constant 16 : i32
        %mul3A_491 = arith.muli %add3A_489, %mul3A_490 : i32
        %get3A_492 = arith.index_cast %mul3A_491 : i32 to index
        %get3A_493 = tpu.vector_load %arg7[%get3A_492] {strides = array<i32>} : memref<4096xi32, #tpu.memory_space<vmem>>, vector<16xi32>,
        %gather3A_494 = tpu.vector_load_idx %arg6[%get3A_493] : memref<100000xf32, #tpu.memory_space<vmem>>[vector<16xi32>], vector<16xf32>,
        %mul3A_495 = arith.constant 4 : i32
        %mul3A_496 = arith.muli %scan3A_431, %mul3A_495 : i32
        %add3A_497 = arith.constant 3 : i32
        %add3A_498 = arith.addi %mul3A_496, %add3A_497 : i32
        %mul3A_499 = arith.constant 16 : i32
        %mul3A_500 = arith.muli %add3A_498, %mul3A_499 : i32
        %swap3A_501 = arith.constant 1 : i32
        %swap3A_502 = arith.index_cast %swap3A_501 : i32 to index
        %swap3A_503 = arith.index_cast %mul3A_500 : i32 to index
        %swap3A_504 = tpu.vector_load %arg9[%swap3A_502, %swap3A_503] {strides = array<i32>} : memref<2x4096xf32, #tpu.memory_space<vmem>>, vector<16xf32>,
        tpu.vector_store %arg9[%swap3A_502, %swap3A_503], %gather3A_494 {strides = array<i32>} : memref<2x4096xf32, #tpu.memory_space<vmem>>, vector<16xf32>,
      }
      %scan3A_408 = arith.constant 64 : i32
      %add3A_409 = arith.constant 1 : i32
      %add3A_410 = arith.addi %add3A_296, %add3A_409 : i32
      %lt3A_411 = arith.constant 52 : i32
      %lt3A_412 = arith.cmpi slt, %add3A_410, %lt3A_411 : i32
      %convert_element_type3A_413 = arith.extui %lt3A_412 : i1 to i32
      %cond3A_414 = arith.constant 0 : i32
      %cond3A_415 = arith.cmpi ne, %convert_element_type3A_413, %cond3A_414 : i32
      scf.if %cond3A_415 {
        %add3A_431 = arith.constant 1 : i32
        %add3A_432 = arith.addi %add3A_296, %add3A_431 : i32
        %add3A_433 = arith.addi %mul3A_2, %add3A_432 : i32
        %jit3A_434 = arith.constant 64 : i32
        %div3A_435 = arith.divsi %add3A_433, %jit3A_434 : i32
        %sign3A_436 = arith.constant 0 : i32
        %sign3A_437 = arith.cmpi sgt, %add3A_433, %sign3A_436 : i32
        %sign3A_438 = arith.extui %sign3A_437 : i1 to i32
        %sign3A_439 = arith.constant 0 : i32
        %sign3A_440 = arith.cmpi slt, %add3A_433, %sign3A_439 : i32
        %sign3A_441 = arith.extui %sign3A_440 : i1 to i32
        %sign3A_442 = arith.subi %sign3A_438, %sign3A_441 : i32
        %sign3A_443 = arith.constant 0 : i32
        %sign3A_444 = arith.cmpi sgt, %jit3A_434, %sign3A_443 : i32
        %sign3A_445 = arith.extui %sign3A_444 : i1 to i32
        %sign3A_446 = arith.constant 0 : i32
        %sign3A_447 = arith.cmpi slt, %jit3A_434, %sign3A_446 : i32
        %sign3A_448 = arith.extui %sign3A_447 : i1 to i32
        %sign3A_449 = arith.subi %sign3A_445, %sign3A_448 : i32
        %ne3A_450 = arith.cmpi ne, %sign3A_442, %sign3A_449 : i32
        %rem3A_451 = arith.remsi %add3A_433, %jit3A_434 : i32
        %ne3A_452 = arith.constant 0 : i32
        %ne3A_453 = arith.cmpi ne, %rem3A_451, %ne3A_452 : i32
        %and3A_454 = arith.andi %ne3A_450, %ne3A_453 : i1
        %sub3A_455 = arith.constant 1 : i32
        %sub3A_456 = arith.subi %div3A_435, %sub3A_455 : i32
        %select_n3A_457 = arith.select %and3A_454, %sub3A_456, %div3A_435 : i32
        %jit3A_458 = arith.constant 64 : i32
        %eq3A_459 = arith.constant 0 : i32
        %eq3A_460 = arith.cmpi eq, %jit3A_458, %eq3A_459 : i32
        %jit3A_461 = arith.constant 1 : i32
        %select_n3A_462 = arith.select %eq3A_460, %jit3A_461, %jit3A_458 : i32
        %rem3A_463 = arith.remsi %add3A_433, %select_n3A_462 : i32
        %ne3A_464 = arith.constant 0 : i32
        %ne3A_465 = arith.cmpi ne, %rem3A_463, %ne3A_464 : i32
        %lt3A_466 = arith.constant 0 : i32
        %lt3A_467 = arith.cmpi slt, %rem3A_463, %lt3A_466 : i32
        %lt3A_468 = arith.constant 0 : i32
        %lt3A_469 = arith.cmpi slt, %select_n3A_462, %lt3A_468 : i32
        %ne3A_470 = arith.xori %lt3A_467, %lt3A_469 : i1
        %and3A_471 = arith.andi %ne3A_470, %ne3A_465 : i1
        %add3A_472 = arith.addi %rem3A_463, %select_n3A_462 : i32
        %select_n3A_473 = arith.select %and3A_471, %add3A_472, %rem3A_463 : i32
        %dma_start3A_474 = arith.constant 0 : i32
        %dma_start3A_475 = tpu.memref_slice %arg3[%select_n3A_457, %select_n3A_473, %dma_start3A_474] : memref<26x64x100000xf32, #tpu.memory_space<hbm>> -> memref<1x1x100000xf32, #tpu.memory_space<hbm>>
        %dma_start3A_476 = tpu.memref_squeeze %dma_start3A_475 : memref<1x1x100000xf32, #tpu.memory_space<hbm>> -> memref<100000xf32, #tpu.memory_space<hbm>>
        %dma_start3A_477 = arith.constant 0 : i32
        %dma_start3A_478 = tpu.memref_slice %arg3[%select_n3A_457, %select_n3A_473, %dma_start3A_477] : memref<26x64x100000xf32, #tpu.memory_space<hbm>> -> memref<1x1x100000xf32, #tpu.memory_space<hbm>>
        %dma_start3A_479 = tpu.memref_squeeze %dma_start3A_478 : memref<1x1x100000xf32, #tpu.memory_space<hbm>> -> memref<100000xf32, #tpu.memory_space<hbm>>
        tpu.enqueue_dma source(%dma_start3A_479 : memref<100000xf32, #tpu.memory_space<hbm>>) target(%arg6 : memref<100000xf32, #tpu.memory_space<vmem>>) target_semaphore(%arg12 : memref<!tpu.dma_semaphore, #tpu.memory_space<semaphore_mem>>)
      } else {
      }
      %add3A_416 = arith.constant 13 : i32
      %add3A_417 = arith.addi %add3A_416, %select_n3A_321 : i32
      %dma_start3A_418 = arith.constant 1 : i32
      %dma_start3A_419 = arith.constant 0 : i32
      %dma_start3A_420 = tpu.memref_slice %arg9[%dma_start3A_418, %dma_start3A_419] : memref<2x4096xf32, #tpu.memory_space<vmem>> -> memref<1x4096xf32, #tpu.memory_space<vmem>>
      %dma_start3A_421 = tpu.memref_squeeze %dma_start3A_420 : memref<1x4096xf32, #tpu.memory_space<vmem>> -> memref<4096xf32, #tpu.memory_space<vmem>>
      %dma_start3A_422 = arith.constant 0 : i32
      %dma_start3A_423 = tpu.memref_slice %arg5[%add3A_417, %select_n3A_337, %dma_start3A_422] : memref<39x64x4096xf32, #tpu.memory_space<hbm>> -> memref<1x1x4096xf32, #tpu.memory_space<hbm>>
      %dma_start3A_424 = tpu.memref_squeeze %dma_start3A_423 : memref<1x1x4096xf32, #tpu.memory_space<hbm>> -> memref<4096xf32, #tpu.memory_space<hbm>>
      %dma_start3A_425 = arith.constant 0 : i32
      %dma_start3A_426 = tpu.memref_slice %arg5[%add3A_417, %select_n3A_337, %dma_start3A_425] : memref<39x64x4096xf32, #tpu.memory_space<hbm>> -> memref<1x1x4096xf32, #tpu.memory_space<hbm>>
      %dma_start3A_427 = tpu.memref_squeeze %dma_start3A_426 : memref<1x1x4096xf32, #tpu.memory_space<hbm>> -> memref<4096xf32, #tpu.memory_space<hbm>>
      %dma_start3A_428 = arith.constant 0 : i32
      %dma_start3A_429 = tpu.memref_slice %arg9[%dma_start3A_418, %dma_start3A_428] : memref<2x4096xf32, #tpu.memory_space<vmem>> -> memref<1x4096xf32, #tpu.memory_space<vmem>>
      %dma_start3A_430 = tpu.memref_squeeze %dma_start3A_429 : memref<1x4096xf32, #tpu.memory_space<vmem>> -> memref<4096xf32, #tpu.memory_space<vmem>>
      tpu.enqueue_dma source(%dma_start3A_430 : memref<4096xf32, #tpu.memory_space<vmem>>) target(%dma_start3A_427 : memref<4096xf32, #tpu.memory_space<hbm>>) target_semaphore(%arg14 : memref<!tpu.dma_semaphore, #tpu.memory_space<semaphore_mem>>)
    }
    %scan3A_46 = arith.constant 26 : i32
    %add3A_47 = arith.constant 50 : i32
    %add3A_48 = arith.addi %mul3A_2, %add3A_47 : i32
    %jit3A_49 = arith.constant 64 : i32
    %div3A_50 = arith.divsi %add3A_48, %jit3A_49 : i32
    %sign3A_51 = arith.constant 0 : i32
    %sign3A_52 = arith.cmpi sgt, %add3A_48, %sign3A_51 : i32
    %sign3A_53 = arith.extui %sign3A_52 : i1 to i32
    %sign3A_54 = arith.constant 0 : i32
    %sign3A_55 = arith.cmpi slt, %add3A_48, %sign3A_54 : i32
    %sign3A_56 = arith.extui %sign3A_55 : i1 to i32
    %sign3A_57 = arith.subi %sign3A_53, %sign3A_56 : i32
    %sign3A_58 = arith.constant 0 : i32
    %sign3A_59 = arith.cmpi sgt, %jit3A_49, %sign3A_58 : i32
    %sign3A_60 = arith.extui %sign3A_59 : i1 to i32
    %sign3A_61 = arith.constant 0 : i32
    %sign3A_62 = arith.cmpi slt, %jit3A_49, %sign3A_61 : i32
    %sign3A_63 = arith.extui %sign3A_62 : i1 to i32
    %sign3A_64 = arith.subi %sign3A_60, %sign3A_63 : i32
    %ne3A_65 = arith.cmpi ne, %sign3A_57, %sign3A_64 : i32
    %rem3A_66 = arith.remsi %add3A_48, %jit3A_49 : i32
    %ne3A_67 = arith.constant 0 : i32
    %ne3A_68 = arith.cmpi ne, %rem3A_66, %ne3A_67 : i32
    %and3A_69 = arith.andi %ne3A_65, %ne3A_68 : i1
    %sub3A_70 = arith.constant 1 : i32
    %sub3A_71 = arith.subi %div3A_50, %sub3A_70 : i32
    %select_n3A_72 = arith.select %and3A_69, %sub3A_71, %div3A_50 : i32
    %add3A_73 = arith.constant 13 : i32
    %add3A_74 = arith.addi %add3A_73, %select_n3A_72 : i32
    %jit3A_75 = arith.constant 64 : i32
    %eq3A_76 = arith.constant 0 : i32
    %eq3A_77 = arith.cmpi eq, %jit3A_75, %eq3A_76 : i32
    %jit3A_78 = arith.constant 1 : i32
    %select_n3A_79 = arith.select %eq3A_77, %jit3A_78, %jit3A_75 : i32
    %rem3A_80 = arith.remsi %add3A_48, %select_n3A_79 : i32
    %ne3A_81 = arith.constant 0 : i32
    %ne3A_82 = arith.cmpi ne, %rem3A_80, %ne3A_81 : i32
    %lt3A_83 = arith.constant 0 : i32
    %lt3A_84 = arith.cmpi slt, %rem3A_80, %lt3A_83 : i32
    %lt3A_85 = arith.constant 0 : i32
    %lt3A_86 = arith.cmpi slt, %select_n3A_79, %lt3A_85 : i32
    %ne3A_87 = arith.xori %lt3A_84, %lt3A_86 : i1
    %and3A_88 = arith.andi %ne3A_87, %ne3A_82 : i1
    %add3A_89 = arith.addi %rem3A_80, %select_n3A_79 : i32
    %select_n3A_90 = arith.select %and3A_88, %add3A_89, %rem3A_80 : i32
    %dma_wait3A = arith.constant 0 : i32
    %dma_wait3A_91 = arith.constant 0 : i32
    %dma_wait3A_92 = tpu.memref_slice %arg9[%dma_wait3A, %dma_wait3A_91] : memref<2x4096xf32, #tpu.memory_space<vmem>> -> memref<1x4096xf32, #tpu.memory_space<vmem>>
    %dma_wait3A_93 = tpu.memref_squeeze %dma_wait3A_92 : memref<1x4096xf32, #tpu.memory_space<vmem>> -> memref<4096xf32, #tpu.memory_space<vmem>>
    %dma_wait3A_94 = arith.constant 0 : i32
    %dma_wait3A_95 = tpu.memref_slice %arg5[%add3A_74, %select_n3A_90, %dma_wait3A_94] : memref<39x64x4096xf32, #tpu.memory_space<hbm>> -> memref<1x1x4096xf32, #tpu.memory_space<hbm>>
    %dma_wait3A_96 = tpu.memref_squeeze %dma_wait3A_95 : memref<1x1x4096xf32, #tpu.memory_space<hbm>> -> memref<4096xf32, #tpu.memory_space<hbm>>
    %dma_wait3A_97 = arith.constant 0 : i32
    %dma_wait3A_98 = tpu.memref_slice %arg5[%add3A_74, %select_n3A_90, %dma_wait3A_97] : memref<39x64x4096xf32, #tpu.memory_space<hbm>> -> memref<1x1x4096xf32, #tpu.memory_space<hbm>>
    %dma_wait3A_99 = tpu.memref_squeeze %dma_wait3A_98 : memref<1x1x4096xf32, #tpu.memory_space<hbm>> -> memref<4096xf32, #tpu.memory_space<hbm>>
    %dma_wait3A_100 = arith.constant 0 : i32
    %dma_wait3A_101 = tpu.memref_slice %arg9[%dma_wait3A, %dma_wait3A_100] : memref<2x4096xf32, #tpu.memory_space<vmem>> -> memref<1x4096xf32, #tpu.memory_space<vmem>>
    %dma_wait3A_102 = tpu.memref_squeeze %dma_wait3A_101 : memref<1x4096xf32, #tpu.memory_space<vmem>> -> memref<4096xf32, #tpu.memory_space<vmem>>
    tpu.wait_dma2 semaphore(%arg13 : memref<!tpu.dma_semaphore, #tpu.memory_space<semaphore_mem>>) src(%dma_wait3A_102 : memref<4096xf32, #tpu.memory_space<vmem>>) dst(%dma_wait3A_99 : memref<4096xf32, #tpu.memory_space<hbm>>)
    %add3A_103 = arith.constant 51 : i32
    %add3A_104 = arith.addi %mul3A_2, %add3A_103 : i32
    %jit3A_105 = arith.constant 64 : i32
    %div3A_106 = arith.divsi %add3A_104, %jit3A_105 : i32
    %sign3A_107 = arith.constant 0 : i32
    %sign3A_108 = arith.cmpi sgt, %add3A_104, %sign3A_107 : i32
    %sign3A_109 = arith.extui %sign3A_108 : i1 to i32
    %sign3A_110 = arith.constant 0 : i32
    %sign3A_111 = arith.cmpi slt, %add3A_104, %sign3A_110 : i32
    %sign3A_112 = arith.extui %sign3A_111 : i1 to i32
    %sign3A_113 = arith.subi %sign3A_109, %sign3A_112 : i32
    %sign3A_114 = arith.constant 0 : i32
    %sign3A_115 = arith.cmpi sgt, %jit3A_105, %sign3A_114 : i32
    %sign3A_116 = arith.extui %sign3A_115 : i1 to i32
    %sign3A_117 = arith.constant 0 : i32
    %sign3A_118 = arith.cmpi slt, %jit3A_105, %sign3A_117 : i32
    %sign3A_119 = arith.extui %sign3A_118 : i1 to i32
    %sign3A_120 = arith.subi %sign3A_116, %sign3A_119 : i32
    %ne3A_121 = arith.cmpi ne, %sign3A_113, %sign3A_120 : i32
    %rem3A_122 = arith.remsi %add3A_104, %jit3A_105 : i32
    %ne3A_123 = arith.constant 0 : i32
    %ne3A_124 = arith.cmpi ne, %rem3A_122, %ne3A_123 : i32
    %and3A_125 = arith.andi %ne3A_121, %ne3A_124 : i1
    %sub3A_126 = arith.constant 1 : i32
    %sub3A_127 = arith.subi %div3A_106, %sub3A_126 : i32
    %select_n3A_128 = arith.select %and3A_125, %sub3A_127, %div3A_106 : i32
    %add3A_129 = arith.constant 13 : i32
    %add3A_130 = arith.addi %add3A_129, %select_n3A_128 : i32
    %jit3A_131 = arith.constant 64 : i32
    %eq3A_132 = arith.constant 0 : i32
    %eq3A_133 = arith.cmpi eq, %jit3A_131, %eq3A_132 : i32
    %jit3A_134 = arith.constant 1 : i32
    %select_n3A_135 = arith.select %eq3A_133, %jit3A_134, %jit3A_131 : i32
    %rem3A_136 = arith.remsi %add3A_104, %select_n3A_135 : i32
    %ne3A_137 = arith.constant 0 : i32
    %ne3A_138 = arith.cmpi ne, %rem3A_136, %ne3A_137 : i32
    %lt3A_139 = arith.constant 0 : i32
    %lt3A_140 = arith.cmpi slt, %rem3A_136, %lt3A_139 : i32
    %lt3A_141 = arith.constant 0 : i32
    %lt3A_142 = arith.cmpi slt, %select_n3A_135, %lt3A_141 : i32
    %ne3A_143 = arith.xori %lt3A_140, %lt3A_142 : i1
    %and3A_144 = arith.andi %ne3A_143, %ne3A_138 : i1
    %add3A_145 = arith.addi %rem3A_136, %select_n3A_135 : i32
    %select_n3A_146 = arith.select %and3A_144, %add3A_145, %rem3A_136 : i32
    %dma_wait3A_147 = arith.constant 1 : i32
    %dma_wait3A_148 = arith.constant 0 : i32
    %dma_wait3A_149 = tpu.memref_slice %arg9[%dma_wait3A_147, %dma_wait3A_148] : memref<2x4096xf32, #tpu.memory_space<vmem>> -> memref<1x4096xf32, #tpu.memory_space<vmem>>
    %dma_wait3A_150 = tpu.memref_squeeze %dma_wait3A_149 : memref<1x4096xf32, #tpu.memory_space<vmem>> -> memref<4096xf32, #tpu.memory_space<vmem>>
    %dma_wait3A_151 = arith.constant 0 : i32
    %dma_wait3A_152 = tpu.memref_slice %arg5[%add3A_130, %select_n3A_146, %dma_wait3A_151] : memref<39x64x4096xf32, #tpu.memory_space<hbm>> -> memref<1x1x4096xf32, #tpu.memory_space<hbm>>
    %dma_wait3A_153 = tpu.memref_squeeze %dma_wait3A_152 : memref<1x1x4096xf32, #tpu.memory_space<hbm>> -> memref<4096xf32, #tpu.memory_space<hbm>>
    %dma_wait3A_154 = arith.constant 0 : i32
    %dma_wait3A_155 = tpu.memref_slice %arg5[%add3A_130, %select_n3A_146, %dma_wait3A_154] : memref<39x64x4096xf32, #tpu.memory_space<hbm>> -> memref<1x1x4096xf32, #tpu.memory_space<hbm>>
    %dma_wait3A_156 = tpu.memref_squeeze %dma_wait3A_155 : memref<1x1x4096xf32, #tpu.memory_space<hbm>> -> memref<4096xf32, #tpu.memory_space<hbm>>
    %dma_wait3A_157 = arith.constant 0 : i32
    %dma_wait3A_158 = tpu.memref_slice %arg9[%dma_wait3A_147, %dma_wait3A_157] : memref<2x4096xf32, #tpu.memory_space<vmem>> -> memref<1x4096xf32, #tpu.memory_space<vmem>>
    %dma_wait3A_159 = tpu.memref_squeeze %dma_wait3A_158 : memref<1x4096xf32, #tpu.memory_space<vmem>> -> memref<4096xf32, #tpu.memory_space<vmem>>
    tpu.wait_dma2 semaphore(%arg14 : memref<!tpu.dma_semaphore, #tpu.memory_space<semaphore_mem>>) src(%dma_wait3A_159 : memref<4096xf32, #tpu.memory_space<vmem>>) dst(%dma_wait3A_156 : memref<4096xf32, #tpu.memory_space<hbm>>)
    return
  }
}

</mosaic_0001>

<sc_bundles>
// kernel: kernel.3.cloned.1.call-start
scs
__scs_entry_jumppad:
0x0: {  	(pc) =	sbr.rel $0x88, $3  }
0x1: {  	(tag) =	ssettag $0x0;
	lr =	simm.s32 $0x1  }
0x2: {  	[smem:$0x3F9E] =	sst lr;
	_ =	strace $0xD0000000  }
0x3: {  	_ = 	snop  }
0x4: {  	_ = 	snop  }
0x5: {  	_ = 	snop  }
0x6: {  	_ = 	snop  }
0x7: {  	_ = 	snop  }
__scs_overlays_trampoline_lowered:
0x8: {  	[smem:$0x3FAD] =	sst s0  }
0x9: {  	[smem:$0x3FAE] =	sst s1  }
0xa: {  	[smem:$0x3FAF] =	sst s2  }
0xb: {  	[smem:$0x3FB0] =	sst s3  }
0xc: {  	[smem:$0x3FB1] =	sst s4  }
0xd: {  	[smem:$0x3FB2] =	sst s5  }
0xe: {  	[smem:$0x3FB3] =	sst s6  }
0xf: {  	[smem:$0x3FB4] =	sst s7  }
0x10: {  	[smem:$0x3FB5] =	sst s8  }
0x11: {  	[smem:$0x3FB6] =	sst s9;
	s0 =	simm.s32 @!p0 $0x0  }
0x12: {  	s1 =	sld [smem:$0x3F9C];
	s0 =	simm.s32 @p0 $0x1  }
0x13: {  	[smem:$0x3FB7] =	sst s0;
	s0 =	simm.s32 @!p1 $0x0  }
0x14: {  	s2 =	sld [smem:$0x3F9B];
	s0 =	simm.s32 @p1 $0x1  }
0x15: {  	[smem:$0x3FB8] =	sst s0;
	s0 =	simm.s32 @!p2 $0x0  }
0x16: {  	s3 =	sld [smem:$0x3FDB];
	s0 =	simm.s32 @p2 $0x1  }
0x17: {  	s4 =	simm.s32 $0x1BF5;
	[smem:$0x3FBA] =	sst s0  }
0x18: {  	s0 =	sld [smem:$0x3F9D];
	_ =	swait.ge [sflag:s4], $0x0  }
0x19: {  	s7 =	sld [smem:$0x3F9E]  }
0x1a: {  	s8 =	sadd.s32 $0xFFFFE003, lr  }
0x1b: {  	s9 =	sadd.s32 $0xFFFFFEF7, lr;
	s5 =	simm.s32 $0xFFFFFFFF;
	p2 =	slt.u32 s8, $0xFFFFF086  }
0x1c: {  	p1 =	slt.u32 s9, $0xF7A;
	s5 =	simm.s32 @!p2 $0x0  }
0x1d: {  	s5 =	simm.s32 @p1 $0x1;
	p0 =	seq.s32 s7, s2  }
0x1e: {  	s7 =	smul.u32 @!p0 $0xF7A, s2;
	p2 =	seq.s32 @!p0 s5, $0x0  }
0x1f: {  	s9 =	smul.u32 $0xF7A, s1;
	s8 =	simm.s32 @!p0 $0x1BF5;
	p2 =	por !p2, p0  }
0x20: {  	[sflag:s8] =	ssyncset.s32 @!p0 $0xFFFFF086;
	s6 =	sadd.s32 @!p0 s3, s7;
	s7 =	simm.s32 @!p0 $0x108  }
0x21: {  	s3 =	sadd.s32 s3, s9;
	s6 =	sadd.s32 @!p0 $0x88, s6;
	s7 =	simm.s32 @p2 $0x1082  }
0x22: {  	[simem:s7], [sflag:s8] =	dma.local @!p0 [hbm:s6], $0xF7A  }
0x23: {  	s9 =	sor.u32 $0xD0000000, s2;
	s6 =	simm.s32 $0x108;
	_ =	swait.ge @!p0 [sflag:s8], $0x0  }
0x24: {  	s3 =	sadd.s32 $0x88, s3;
	s6 =	simm.s32 @!p1 $0x1082;
	[sflag:s4] =	ssyncset.s32 $0xFFFFF086  }
0x25: {  	[simem:s6], [sflag:s4] =	dma.local [hbm:s3], $0xF7A  }
0x26: {  	[smem:$0x3F9E] =	sst s1;
	(tag) =	ssettag s2;
	_ =	strace s9  }
0x27: {  	s1 =	sld [smem:$0x3FAE]  }
0x28: {  	s2 =	sld [smem:$0x3FAF]  }
0x29: {  	s4 =	sld [smem:$0x3FB1]  }
0x2a: {  	p0 =	seq.s32 s5, $0x0;
	s5 =	sld [smem:$0x3FB2]  }
0x2b: {  	s6 =	sld [smem:$0x3FB3]  }
0x2c: {  	s7 =	sld [smem:$0x3FB4]  }
0x2d: {  	s3 =	simm.s32 $0x108;
	s8 =	sld [smem:$0x3FB5]  }
0x2e: {  	s3 =	simm.s32 @!p0 $0x1082;
	s9 =	sld [smem:$0x3FB6]  }
0x2f: {  	lr =	sadd.s32 s0, s3;
	s0 =	sld [smem:$0x3FAD]  }
0x30: {  	s3 =	sld [smem:$0x3FB0]  }
0x31: {  	[smem:$0x3FB9] =	sst s10  }
0x32: {  	s10 =	sld [smem:$0x3FB7];
	_ =	sdelay $0x3  }
0x33: {  	p0 =	seq.s32 s10, $0x1;
	s10 =	sld [smem:$0x3FB9];
	_ =	sdelay $0x3  }
0x34: {  	[smem:$0x3FB9] =	sst s10  }
0x35: {  	s10 =	sld [smem:$0x3FB8];
	_ =	sdelay $0x3  }
0x36: {  	p1 =	seq.s32 s10, $0x1;
	s10 =	sld [smem:$0x3FB9];
	_ =	sdelay $0x3  }
0x37: {  	[smem:$0x3FB9] =	sst s10  }
0x38: {  	s10 =	sld [smem:$0x3FBA]  }
0x39: {  	_ = 	snop;
	(pc) =	sbr.ind lr, $3  }
0x3a: {  	_ = 	snop  }
0x3b: {  	_ = 	snop  }
0x3c: {  	p2 =	seq.s32 s10, $0x1;
	s10 =	sld [smem:$0x3FB9]  }
0x3d: {  	_ =	shalt  }
0x3e: {  	_ =	shalt  }
0x3f: {  	_ =	shalt  }
0x40: {  	_ =	shalt  }
0x41: {  	_ =	shalt  }
0x42: {  	_ =	shalt  }
0x43: {  	_ =	shalt  }
0x44: {  	_ =	shalt  }
0x45: {  	_ =	shalt  }
0x46: {  	_ =	shalt  }
0x47: {  	_ =	shalt  }
0x48: {  	_ =	shalt  }
0x49: {  	_ =	shalt  }
0x4a: {  	_ =	shalt  }
0x4b: {  	_ =	shalt  }
0x4c: {  	_ =	shalt  }
0x4d: {  	_ =	shalt  }
0x4e: {  	_ =	shalt  }
0x4f: {  	_ =	shalt  }
0x50: {  	_ =	shalt  }
0x51: {  	_ =	shalt  }
0x52: {  	_ =	shalt  }
0x53: {  	_ =	shalt  }
0x54: {  	_ =	shalt  }
0x55: {  	_ =	shalt  }
0x56: {  	_ =	shalt  }
0x57: {  	_ =	shalt  }
0x58: {  	_ =	shalt  }
0x59: {  	_ =	shalt  }
0x5a: {  	_ =	shalt  }
0x5b: {  	_ =	shalt  }
0x5c: {  	_ =	shalt  }
0x5d: {  	_ =	shalt  }
0x5e: {  	_ =	shalt  }
0x5f: {  	_ =	shalt  }
0x60: {  	_ =	shalt  }
0x61: {  	_ =	shalt  }
0x62: {  	_ =	shalt  }
0x63: {  	_ =	shalt  }
0x64: {  	_ =	shalt  }
0x65: {  	_ =	shalt  }
0x66: {  	_ =	shalt  }
0x67: {  	_ =	shalt  }
0x68: {  	_ =	shalt  }
0x69: {  	_ =	shalt  }
0x6a: {  	_ =	shalt  }
0x6b: {  	_ =	shalt  }
0x6c: {  	_ =	shalt  }
0x6d: {  	_ =	shalt  }
0x6e: {  	_ =	shalt  }
0x6f: {  	_ =	shalt  }
0x70: {  	_ =	shalt  }
0x71: {  	_ =	shalt  }
0x72: {  	_ =	shalt  }
0x73: {  	_ =	shalt  }
0x74: {  	_ =	shalt  }
0x75: {  	_ =	shalt  }
0x76: {  	_ =	shalt  }
0x77: {  	_ =	shalt  }
0x78: {  	_ =	shalt  }
0x79: {  	_ =	shalt  }
0x7a: {  	_ =	shalt  }
0x7b: {  	_ =	shalt  }
0x7c: {  	_ =	shalt  }
0x7d: {  	_ =	shalt  }
0x7e: {  	_ =	shalt  }
0x7f: {  	_ =	shalt  }
0x80: {  	_ =	shalt  }
0x81: {  	_ =	shalt  }
0x82: {  	_ =	shalt  }
0x83: {  	_ =	shalt  }
0x84: {  	_ =	shalt  }
0x85: {  	_ =	shalt  }
0x86: {  	_ =	shalt  }
0x87: {  	_ =	shalt  }
.Lfunc_end0:
.L_simem_size_0:
called_computation_lowered:
.L_overlay_start_0:
0x88: {  	s2 =	sld [smem:$0x3FD9]  }
0x89: {  	s3 =	sld [smem:$0x3FFE];
	_ =	sdelay $0x1  }
0x8a: {  	s1 =	srdreg.scid  }
0x8b: {  	s0 =	sand.u32 $0x1, s1  }
0x8c: {  	s18 =	sshll.u32 s0, $0xA;
	s2 =	sadd.s32 s3, s2  }
0x8d: {  	s2 =	sadd.s32 s2, s18  }
0x8e: {  	[smem:$0x3FC5] =	sst s2  }
0x8f: {  	_ = 	snop  }
0x90: {  	s2 =	sld [smem:$0x3FC9]  }
0x91: {  	s19 =	sld [smem:$0x3FC8]  }
0x92: {  	s4 =	sld [smem:$0x3FC7]  }
0x93: {  	s5 =	sld [smem:$0x3FD0];
	(tm) =	ssettm $0x1  }
0x94: {  	s6 =	sld [smem:$0x3FFB];
	_ =	sdelay $0x3  }
0x95: {  	_ =	strace s6  }
0x96: {  	s6 =	sld [smem:$0x3FFC];
	_ =	sdelay $0x3  }
0x97: {  	_ =	strace s6  }
0x98: {  	s6 =	sld [smem:$0x3FFD];
	_ =	sdelay $0x3  }
0x99: {  	_ =	strace s6  }
0x9a: {  	_ =	strace $0x8FFFFFFF  }
0x9b: {  	s20 =	sld [smem:$0x3FDB];
	_ =	sdelay $0x1  }
0x9c: {  	s7 =	simm.s32 $_scs_section_size  }
0x9d: {  	s8 =	simm.s32 $_size__tile_overlayer_lowered;
	s9 =	simm.s32 $_tile_overlayer_lowered  }
0x9e: {  	s23 =	simm.s32 $0x1BFF;
	s22 =	sshll.u32 s9, $0x1;
	s6 =	sadd.s32 s7, s20  }
0x9f: {  	s10 =	simm.s32 $0x0;
	s21 =	sshll.u32 s8, $0x1;
	s8 =	sadd.s32 s22, s6  }
0xa0: {  	[timem:s10], [sflag:s23] =	dma.local [hbm:s8], s21  }
0xa1: {  	_ =	swait.ge [sflag:s23], s21  }
0xa2: {  	s7 =	ssub.s32 $0x0, s21;
	[sflag:s23] =	ssyncset.done $0x0  }
0xa3: {  	[sflag:s23] =	ssyncadd.s32 s7;
	_ =	sdelay $0x1  }
0xa4: {  	s24 =	simm.s32 $0x1B8B  }
0xa5: {  	_ =	swait.ge [sflag:s24], $0x1  }
0xa6: {  	[sflag:s24] =	ssyncset.done $0x0  }
0xa7: {  	s25 =	simm.s32 $0x1B8E;
	[sflag:s24] =	ssyncadd.s32 $0xFFFFFFFF  }
0xa8: {  	s26 =	simm.s32 $execute0_lowered;
	[smem:$0x3FD2] =	sst s25  }
0xa9: {  	s7 =	sshll.u32 s26, $0x1;
	_ =	strace $0x80000046;
	[dreg:$0x1] =	wrdreg $0xFFFFFFFF  }
0xaa: {  	s28 =	simm.s32 $_size_execute0_lowered;
	s6 =	sadd.s32 s6, s7;
	[dreg:$0x0] =	wrdreg $0x0  }
0xab: {  	s7 =	sshll.u32 s28, $0x1;
	[dreg:$0x2] =	wrdreg s6  }
0xac: {  	[dreg:$0x3] =	wrdreg s7  }
0xad: {  	[dreg:$0x4] =	wrdreg $0xC0  }
0xae: {  	_ =	task [dreg:s10], $0x5FFFF  }
0xaf: {  	[dreg:$0x1] =	wrdreg $0xFFFFFFFF  }
0xb0: {  	[dreg:$0x0] =	wrdreg $0x60  }
0xb1: {  	[dreg:$0x2] =	wrdreg s2  }
0xb2: {  	[dreg:$0x3] =	wrdreg s4  }
0xb3: {  	[dreg:$0x4] =	wrdreg s19  }
0xb4: {  	[dreg:$0x5] =	wrdreg s5  }
0xb5: {  	[dreg:$0x6] =	wrdreg $0x9  }
0xb6: {  	_ =	task.clear_ibuf [dreg:s10], $0x7FFFF;
	_ =	strace $0x90000046  }
0xb7: {  	s29 =	simm.s32 $0x9;
	_ =	strace $0x80000048  }
0xb8: {  	_ =	swait.ge [sflag:s29], $0x1  }
0xb9: {  	[sflag:s29] =	ssyncadd.s32 $0xFFFFFFFF  }
0xba: {  	_ =	strace $0x90000048  }
0xbb: {  	_ =	sfence  }
0xbc: {  	s30 =	sld [smem:$0x0];
	_ =	sdelay $0x2  }
0xbd: {  	s31 =	sshll.u32 s1, $0xD;
	s1 =	sshrl.u32 s1, $0x2  }
0xbe: {  	s3 =	sand.u32 $0x4000, s31;
	s1 =	sadd.s32 s1, s30  }
0xbf: {  	s0 =	sor.u32 s3, s0;
	s1 =	sshll.u32 s1, $0x11  }
0xc0: {  	s0 =	sor.u32 s1, s0  }
0xc1: {  	s0 =	sadd.s32 $0x8F2B, s0  }
0xc2: {  	[sflag:s0] =	ssyncadd.remote.s32 $0x1  }
0xc3: {  	_ =	sfence.sel $0xFFFF  }
0xc4: {  	[dreg:$0x0] =	wrdreg $0xFFFFFFFF;
	(pc) =	sbr.abs _section_cstart, $3  }
0xc5: {  	[dreg:$0x1] =	wrdreg $0xFFFFFFFF  }
0xc6: {  	_ =	task.clear_ibuf [dreg:s10], $0x2FFFF;
	_ =	strace $0x9FFFFFFF  }
0xc7: {  	(tm) =	ssettm $0x7FFFFFFF  }
tec
execute0_lowered:
.L_overlay_start_1:
0x0: {  	(tag) =	ssettag $0x1  }
0x1: {  	s0 =	srdreg.scid;
	s1 =	stileid.u32  }
0x2: {  	s3 =	rddreg [dreg:$0x1];
	s0 =	sand.u32 $0x1, s0;
	s1 =	sshll.u32 s1, $0x1  }
0x3: {  	s6 =	rddreg [dreg:$0x3];
	s14 =	simm.s32 $0x5;
	s4 =	sor.u32 s0, s1  }
0x4: {  	s15 =	simm.s32 $0x80;
	s16 =	simm.s32 $0x400;
	s2 =	smul.u32 $0x34, s4  }
0x5: {  	s17 =	simm.s32 $0x19700;
	s18 =	simm.s32 $0x1C700;
	s19 =	simm.s32 $0x4  }
0x6: {  	s20 =	simm.s32 $0x1;
	s7 =	sshrl.u32 s2, $0x6;
	s8 =	sand.u32 $0x38, s2  }
0x7: {  	s21 =	simm.s32 $0x2;
	s9 =	smul.u32 $0x61C000, s7;
	s8 =	sshrl.u32 s8, $0x3  }
0x8: {  	s22 =	simm.s32 $0x3;
	s23 =	simm.s32 $0x0;
	s8 =	smul.u32 $0xC3800, s8  }
0x9: {  	s1 =	rddreg [dreg:$0x0];
	s0 =	ssub.s32 $0x2, s0;
	s10 =	sshll.u32 s2, $0x7  }
0xa: {  	s30 =	sshrl.u32 s0, $0x1;
	s29 =	sand.u32 $0x200, s10;
	s8 =	sadd.s32 s9, s8  }
0xb: {  	s0 =	ssub.s32 s0, s30;
	s11 =	sor.u32 $0x2, s2;
	s9 =	sor.u32 s29, s8  }
0xc: {  	s12 =	smax.u32 s0, $0x1;
	s7 =	simm.s32 $0x0;
	s31 =	sshrl.u32 s9, $0x3  }
0xd: {  	[smem:$0x7FF] =	sst s7;
	s8 =	smul.u32 $0x1A, s4;
	s4 =	sadd.s32 s3, s31  }
0xe: {  	s10 =	sadd.s32 $0x68000, s6;
	_ =	strace $0x80000047;
	[dreg:$0x5] =	wrdreg s4  }
.LBB2_1:
0xf: {  	s0 =	rddreg [dreg:$0x2];
	s4 =	simm.s32 $0x1D700  }
0x10: {  	[tilespmem:s4], [sflag:$0x5] =	stream.linear.gather [hbm4b:s0+s7], $0x680, $0x38;
	[tilespmem:$0x1DF00] =	vst v63  }
0x11: {  	_ =	swait.ge [sflag:s14], $0x680  }
0x12: {  	[sflag:s14] =	ssyncset.done $0x0  }
0x13: {  	s24 =	simm.s32 $0x0;
	s31 =	rddreg [dreg:$0x5];
	[sflag:s14] =	ssyncadd.s32 $0xFFFFF980  }
0x14: {  	[tilespmem:s7], [sflag:$0x1] =	stream.strided.gather [hbm4b:s31+s15], $0x18700, s16, s15, $0x38;
	[tilespmem:$0x1DF00] =	vst v63  }
.LBB2_2:
0x15: {  	p1 =	sgt.u32 s24, $0xC  }
.Ltmp0:
0x16: {  	_ = 	snop;
	(pc) =	sbr.rel @p1 .LBB2_6-.Ltmp0, $2  }
0x17: {  	_ =	sdelay $0x2  }
0x18: {  	s25 =	sshll.u32 s24, $0x1;
	p0 =	seq.s32 s24, $0x0  }
0x19: {  	s29 =	sadd.s32 s8, s25  }
0x1a: {  	s26 =	sand.u32 $0x3E, s29  }
0x1b: {  	p2 =	sne.s32 @!p0 s26, $0x0  }
0x1c: {  	s28 =	sshrl.u32 s29, $0x6;
	p2 =	por p0, !p2  }
0x1d: {  	s0 =	sshll.u32 @p2 s28, $0x4  }
0x1e: {  	s4 =	sshll.u32 s28, $0x9;
	s0 =	sand.u32 @p2 $0x70, s0  }
0x1f: {  	s30 =	sand.u32 @p2 $0xFFFF000, s4;
	s0 =	sadd.s32 @p2 s1, s0  }
0x20: {  	s0 =	sadd.s32 @p2 s30, s0  }
0x21: {  	[tilespmem:s17], [sflag:$0x5] =	stream.strided.gather @p2 [hbm4b:s0+s15], $0x1000, s16, s15, $0x38;
	[tilespmem:$0x1DF00] =	vst v63  }
0x22: {  	_ =	swait.ge @p2 [sflag:s14], $0x1000  }
0x23: {  	s13 =	sand.u32 $0x30, s29;
	s4 =	sshrl.u32 s4, $0x2;
	[sflag:s14] =	ssyncset.done @p2 $0x0  }
0x24: {  	s0 =	sadd.s32 s13, s4;
	[sflag:s14] =	ssyncadd.s32 @p2 $0xFFFFF000  }
0x25: {  	v0 =	vld [tilespmem:s0+$0x1D700];
	_ =	sdelay $0x2  }
0x26: {  	s31 =	sand.u32 $0xE, s29  }
0x27: {  	s29 =	simm.s32 $0x0;
	v1 =	vmov s31  }
0x28: {  	v0 =	vperm.xlane v0, v1;
	v1 =	vld [tilespmem:s29+$0x19700];
	_ =	sdelay $0x2  }
0x29: {  	s30 =	simm.s32 $0x40  }
.LBB2_4:
0x2a: {  	p2 =	sne.s32 s30, $0x3FC0  }
.Ltmp1:
0x2b: {  	s0 =	sshra.s32 s30, $0x2;
	s30 =	sadd.s32 $0x40, s30;
	v2 =	vcvt.s32.f32 v1;
	(pc) =	sbr.rel @p2 .LBB2_4-.Ltmp1, $3  }
0x2c: {  	v1 =	vld [tilespmem:s0+$0x19700]  }
0x2d: {  	v2 =	vmul.f32 v2, v0;
	_ =	sdelay $0x1  }
0x2e: {  	[tilespmem:s29+$0x1C700] =	vst v2;
	s29 =	smov.u32 s0  }
0x2f: {  	_ = 	snop  }
0x30: {  	v1 =	vcvt.s32.f32 v1  }
0x31: {  	s0 =	sshll.u32 s28, $0xF;
	s4 =	sshll.u32 s26, $0x9  }
0x32: {  	s31 =	sshll.u32 s26, $0x4;
	s4 =	sand.u32 $0x7000, s4;
	s0 =	sadd.s32 s6, s0;
	v0 =	vmul.f32 v1, v0  }
0x33: {  	s26 =	sand.u32 $0x60, s31;
	s0 =	sadd.s32 s4, s0  }
0x34: {  	s0 =	sadd.s32 s26, s0;
	[tilespmem:s29+$0x1C700] =	vst v0  }
0x35: {  	[hbm4b:s0+s15] =	stream.strided.scatter [tilespmem:s18], [sflag:$0x4], $0x1000, s16, s15, $0x38;
	[tilespmem:$0x1DF00] =	vst v63  }
0x36: {  	_ =	swait.ge [sflag:s19], $0x1000  }
0x37: {  	[sflag:s19] =	ssyncset.done $0x0  }
0x38: {  	[sflag:s19] =	ssyncadd.s32 $0xFFFFF000  }
.LBB2_6:
0x39: {  	s0 =	sadd.s32 s2, s25  }
0x3a: {  	s28 =	sand.u32 $0x3E, s0  }
0x3b: {  	p2 =	sne.s32 @!p0 s28, $0x0  }
0x3c: {  	s29 =	sshrl.u32 s0, $0x6;
	p2 =	por p0, !p2  }
0x3d: {  	s0 =	sadd.s32 @p2 $0xD, s29  }
0x3e: {  	s4 =	sshll.u32 @p2 s0, $0xC;
	s0 =	sshll.u32 @p2 s0, $0x7  }
0x3f: {  	s4 =	sand.u32 @p2 $0xFFFF8000, s4;
	s0 =	sand.u32 @p2 $0x380, s0  }
0x40: {  	s0 =	sor.u32 @p2 s0, s4  }
0x41: {  	s26 =	simm.s32 @p2 $0x400;
	s0 =	sshrl.u32 @p2 s0, $0x3  }
0x42: {  	s30 =	simm.s32 @p2 $0x18700;
	s4 =	simm.s32 @p2 $0x80;
	s0 =	sadd.s32 @p2 s1, s0  }
0x43: {  	[tilespmem:s30], [sflag:$0x5] =	stream.strided.gather @p2 [hbm4b:s0+s4], $0x1000, s26, s4, $0x38;
	[tilespmem:$0x1DF00] =	vst v63  }
0x44: {  	s0 =	simm.s32 @p2 $0x5  }
0x45: {  	_ =	swait.ge @p2 [sflag:s0], $0x1000  }
0x46: {  	p3 =	seq.s32 @p2 s24, $0x0;
	[sflag:s0] =	ssyncset.done @p2 $0x0  }
0x47: {  	p3 =	por !p2, !p3;
	[sflag:s0] =	ssyncadd.s32 @p2 $0xFFFFF000  }
0x48: {  	_ =	swait.ge @p3 [sflag:s21], $0x1000  }
0x49: {  	[sflag:s21] =	ssyncset.done @p3 $0x0  }
0x4a: {  	[sflag:s21] =	ssyncadd.s32 @p3 $0xFFFFF000  }
0x4b: {  	_ =	swait.ge [sflag:s20], $0x18700  }
0x4c: {  	s31 =	simm.s32 $0x0;
	[sflag:s20] =	ssyncset.done $0x0  }
0x4d: {  	s26 =	simm.s32 $0x0;
	s30 =	simm.s32 $0x18700;
	[sflag:s20] =	ssyncadd.s32 $0xFFFE7900  }
.LBB2_7:
0x4e: {  	v0 =	vld [tilespmem:s30+$0x0];
	_ =	sdelay $0x7  }
0x4f: {  	v0 =	vld.idx.msk [tilespmem:v0+s7+$0x0], $0xffff;
	_ =	sdelay $0x1  }
0x50: {  	s0 =	sand.u32 $0x1F00, s26  }
0x51: {  	s4 =	sand.u32 $0x40, s31;
	s5 =	sand.u32 $0xF80, s31;
	s0 =	sadd.s32 $0x1A700, s0  }
0x52: {  	s9 =	sor.u32 $0x10, s4;
	s5 =	sadd.s32 $0x18700, s5;
	s13 =	sor.u32 s4, s0  }
0x53: {  	[tilespmem:s13+$0x0] =	vst v0;
	s13 =	sor.u32 s9, s5  }
0x54: {  	v0 =	vld [tilespmem:s13+$0x0];
	_ =	sdelay $0x7  }
0x55: {  	v0 =	vld.idx.msk [tilespmem:v0+s7+$0x0], $0xffff;
	_ =	sdelay $0x3  }
0x56: {  	s9 =	sor.u32 s9, s0;
	s13 =	sor.u32 $0x20, s4  }
0x57: {  	[tilespmem:s9+$0x0] =	vst v0;
	s9 =	sor.u32 s13, s5  }
0x58: {  	v0 =	vld [tilespmem:s9+$0x0];
	_ =	sdelay $0x7  }
0x59: {  	v0 =	vld.idx.msk [tilespmem:v0+s7+$0x0], $0xffff;
	_ =	sdelay $0x3  }
0x5a: {  	s4 =	sor.u32 $0x30, s4;
	s13 =	sor.u32 s13, s0  }
0x5b: {  	s5 =	sor.u32 s4, s5;
	[tilespmem:s13+$0x0] =	vst v0  }
0x5c: {  	v0 =	vld [tilespmem:s5+$0x0];
	_ =	sdelay $0x7  }
0x5d: {  	p2 =	sne.s32 s31, $0xFC0;
	v0 =	vld.idx.msk [tilespmem:v0+s7+$0x0], $0xffff  }
.Ltmp2:
0x5e: {  	_ = 	snop;
	(pc) =	sbr.rel @p2 .LBB2_7-.Ltmp2, $3  }
0x5f: {  	_ =	sdelay $0x1  }
0x60: {  	s0 =	sor.u32 s4, s0  }
0x61: {  	s26 =	sadd.s32 $0x80, s26;
	s30 =	sadd.s32 $0x40, s30;
	s31 =	sadd.s32 $0x40, s31;
	[tilespmem:s0+$0x0] =	vst v0  }
0x62: {  	s30 =	sor.u32 $0x1, s25  }
0x63: {  	s26 =	sadd.s32 s2, s30  }
0x64: {  	s0 =	sshrl.u32 s26, $0x6;
	s4 =	sshrl.u32 s26, $0x3  }
0x65: {  	s0 =	smul.u32 $0x61C000, s0;
	s4 =	sand.u32 $0x7, s4  }
0x66: {  	s4 =	smul.u32 $0xC3800, s4  }
0x67: {  	s5 =	sshll.u32 s26, $0x7  }
0x68: {  	s9 =	sand.u32 $0x380, s5;
	s0 =	sadd.s32 s0, s4  }
0x69: {  	s0 =	sor.u32 s9, s0  }
0x6a: {  	s13 =	simm.s32 $0x0;
	s0 =	sshrl.u32 s0, $0x3  }
0x6b: {  	s5 =	sshll.u32 s29, $0xF;
	s9 =	sshll.u32 s28, $0x9;
	s0 =	sadd.s32 s3, s0  }
0x6c: {  	[tilespmem:s13], [sflag:$0x1] =	stream.strided.gather [hbm4b:s0+s15], $0x18700, s16, s15, $0x38;
	[tilespmem:$0x1DF00] =	vst v63  }
0x6d: {  	s4 =	sand.u32 $0x7000, s9;
	s13 =	sshll.u32 s28, $0x4;
	s0 =	sadd.s32 s5, s10  }
0x6e: {  	s5 =	sand.u32 $0x60, s13;
	s0 =	sadd.s32 s4, s0  }
0x6f: {  	s31 =	simm.s32 $0x80;
	s28 =	sadd.s32 s5, s0  }
0x70: {  	s29 =	simm.s32 $0x1A700;
	s4 =	simm.s32 $0x1A800;
	s0 =	sadd.s32 $0x0, s28  }
.LBB2_9:
0x71: {  	[hbm4b:s0+s7] =	stream.linear.scatter [tilespmem:s29], [sflag:$0x2], $0x80, $0x38;
	[tilespmem:$0x1DF00] =	vst v63  }
0x72: {  	s0 =	smov.u32 s31;
	s29 =	smov.u32 s4;
	p2 =	sne.s32 s31, $0xF80  }
.Ltmp3:
0x73: {  	s31 =	sadd.s32 $0x80, s31;
	(pc) =	sbr.rel @p2 .LBB2_9-.Ltmp3, $2  }
0x74: {  	_ =	sdelay $0x2  }
0x75: {  	s4 =	sadd.s32 $0x100, s4;
	s0 =	sadd.s32 s0, s28  }
.Ltmp4:
0x76: {  	(pc) =	sbr.rel @p1 .LBB2_14-.Ltmp4, $2  }
0x77: {  	_ =	sdelay $0x2  }
0x78: {  	[hbm4b:s0+s7] =	stream.linear.scatter [tilespmem:s29], [sflag:$0x2], $0x80, $0x38;
	[tilespmem:$0x1DF00] =	vst v63  }
0x79: {  	s28 =	sadd.s32 s8, s30  }
0x7a: {  	s0 =	sshll.u32 s28, $0x1  }
0x7b: {  	s4 =	sand.u32 $0x30, s28;
	s0 =	sand.u32 $0x3FFFFF80, s0  }
0x7c: {  	s0 =	sor.u32 s4, s0  }
0x7d: {  	v0 =	vld [tilespmem:s0+$0x1D700];
	_ =	sdelay $0x3  }
0x7e: {  	s29 =	simm.s32 $0x0;
	v1 =	vmov s28  }
0x7f: {  	v0 =	vperm.xlane v0, v1;
	v1 =	vld [tilespmem:s29+$0x19700];
	_ =	sdelay $0x2  }
0x80: {  	s31 =	simm.s32 $0x40;
	s30 =	sshrl.u32 s28, $0x6  }
.LBB2_12:
0x81: {  	p1 =	sne.s32 s31, $0x3FC0  }
.Ltmp5:
0x82: {  	s0 =	sshra.s32 s31, $0x2;
	s31 =	sadd.s32 $0x40, s31;
	v2 =	vcvt.s32.f32 v1;
	(pc) =	sbr.rel @p1 .LBB2_12-.Ltmp5, $3  }
0x83: {  	v1 =	vld [tilespmem:s0+$0x19700]  }
0x84: {  	v2 =	vmul.f32 v2, v0;
	_ =	sdelay $0x1  }
0x85: {  	[tilespmem:s29+$0x1C700] =	vst v2;
	s29 =	smov.u32 s0  }
0x86: {  	_ = 	snop  }
0x87: {  	s0 =	sshll.u32 s28, $0x9;
	v1 =	vcvt.s32.f32 v1  }
0x88: {  	s0 =	sand.u32 $0x7000, s0  }
0x89: {  	s4 =	sshll.u32 s30, $0xF;
	s5 =	sshll.u32 s28, $0x4;
	s0 =	sadd.s32 s6, s0;
	v0 =	vmul.f32 v1, v0  }
0x8a: {  	s5 =	sand.u32 $0x70, s5;
	s0 =	sadd.s32 s4, s0  }
.Ltmp6:
0x8b: {  	s0 =	sadd.s32 s5, s0;
	[tilespmem:s29+$0x1C700] =	vst v0;
	(pc) =	sbr.rel @p0 .LBB2_15-.Ltmp6, $4  }
0x8c: {  	[hbm4b:s0+s15] =	stream.strided.scatter [tilespmem:s18], [sflag:$0x4], $0x1000, s16, s15, $0x38;
	[tilespmem:$0x1DF00] =	vst v63  }
0x8d: {  	_ =	swait.ge [sflag:s19], $0x1000  }
0x8e: {  	[sflag:s19] =	ssyncset.done $0x0  }
0x8f: {  	[sflag:s19] =	ssyncadd.s32 $0xFFFFF000  }
.LBB2_14:
0x90: {  	_ =	swait.ge [sflag:s22], $0x1000  }
0x91: {  	[sflag:s22] =	ssyncset.done $0x0  }
0x92: {  	[sflag:s22] =	ssyncadd.s32 $0xFFFFF000  }
.LBB2_15:
0x93: {  	_ =	swait.ge [sflag:s20], $0x18700  }
0x94: {  	p0 =	por $0x0, $0x0;
	s28 =	simm.s32 $0x0;
	[sflag:s20] =	ssyncset.done $0x0  }
0x95: {  	s29 =	simm.s32 $0x18700;
	s30 =	simm.s32 $0x0;
	[sflag:s20] =	ssyncadd.s32 $0xFFFE7900  }
.LBB2_16:
0x96: {  	v0 =	vld [tilespmem:s29+$0x0];
	_ =	sdelay $0x7  }
0x97: {  	s0 =	simm.s32 $0x1;
	v0 =	vld.idx.msk [tilespmem:v0+s7+$0x0], $0xffff  }
0x98: {  	s0 =	simm.s32 @!p0 $0x0  }
0x99: {  	s0 =	sshll.u32 s0, $0x6  }
0x9a: {  	s0 =	sadd.s32 s0, s30  }
0x9b: {  	s5 =	sand.u32 $0xFC0, s28;
	s4 =	sor.u32 $0x80, s0  }
0x9c: {  	s9 =	sadd.s32 $0x18700, s5;
	[tilespmem:s4+$0x1A700] =	vst v0  }
0x9d: {  	v0 =	vld [tilespmem:s9+$0x10];
	_ =	sdelay $0x7  }
0x9e: {  	v0 =	vld.idx.msk [tilespmem:v0+s7+$0x0], $0xffff;
	_ =	sdelay $0x2  }
0x9f: {  	s13 =	sadd.s32 $0x10, s0  }
0xa0: {  	s5 =	sor.u32 $0x80, s13  }
0xa1: {  	[tilespmem:s5+$0x1A700] =	vst v0  }
0xa2: {  	v0 =	vld [tilespmem:s9+$0x20];
	_ =	sdelay $0x7  }
0xa3: {  	v0 =	vld.idx.msk [tilespmem:v0+s7+$0x0], $0xffff;
	_ =	sdelay $0x2  }
0xa4: {  	s31 =	sadd.s32 $0x20, s0  }
0xa5: {  	s5 =	sor.u32 $0x80, s31  }
0xa6: {  	[tilespmem:s5+$0x1A700] =	vst v0  }
0xa7: {  	v0 =	vld [tilespmem:s9+$0x30];
	_ =	sdelay $0x7  }
0xa8: {  	p1 =	sne.s32 s30, $0x1F80;
	v0 =	vld.idx.msk [tilespmem:v0+s7+$0x0], $0xffff  }
.Ltmp7:
0xa9: {  	_ = 	snop;
	(pc) =	sbr.rel @p1 .LBB2_16-.Ltmp7, $4  }
0xaa: {  	_ = 	snop  }
0xab: {  	s0 =	sadd.s32 $0x30, s0  }
0xac: {  	s28 =	sadd.s32 $0x40, s28;
	s0 =	sor.u32 $0x80, s0  }
0xad: {  	s29 =	sadd.s32 $0x40, s29;
	p0 =	por !p0, !p0;
	s30 =	sadd.s32 $0x80, s30;
	[tilespmem:s0+$0x1A700] =	vst v0  }
0xae: {  	p0 =	seq.s32 s24, $0x19  }
0xaf: {  	s0 =	sadd.s32 @!p0 s25, s11  }
0xb0: {  	s4 =	sshrl.u32 @!p0 s0, $0x6;
	s5 =	sshrl.u32 @!p0 s0, $0x3  }
0xb1: {  	s4 =	smul.u32 @!p0 $0x61C000, s4;
	s5 =	sand.u32 @!p0 $0x7, s5  }
0xb2: {  	s5 =	smul.u32 @!p0 $0xC3800, s5  }
0xb3: {  	s0 =	sshll.u32 @!p0 s0, $0x7  }
0xb4: {  	s0 =	sand.u32 @!p0 $0x300, s0;
	s4 =	sadd.s32 @!p0 s4, s5  }
0xb5: {  	s29 =	sshll.u32 s26, $0x9;
	s0 =	sor.u32 @!p0 s0, s4  }
0xb6: {  	s9 =	simm.s32 @!p0 $0x0;
	s30 =	sand.u32 $0xFFF8000, s29;
	s0 =	sshrl.u32 @!p0 s0, $0x3  }
0xb7: {  	s5 =	simm.s32 @!p0 $0x400;
	s4 =	simm.s32 @!p0 $0x80;
	s0 =	sadd.s32 @!p0 s3, s0  }
0xb8: {  	[tilespmem:s9], [sflag:$0x1] =	stream.strided.gather @!p0 [hbm4b:s0+s4], $0x18700, s5, s4, $0x38;
	[tilespmem:$0x1DF00] =	vst v63  }
0xb9: {  	s31 =	sshll.u32 s26, $0x4;
	s0 =	sand.u32 $0x7000, s29;
	s4 =	sadd.s32 s30, s10  }
0xba: {  	s5 =	sand.u32 $0x70, s31;
	s0 =	sadd.s32 s0, s4  }
0xbb: {  	s26 =	simm.s32 $0x1A780;
	s25 =	sadd.s32 s5, s0  }
0xbc: {  	s28 =	simm.s32 $0x80;
	s4 =	simm.s32 $0x1A880;
	s0 =	sadd.s32 $0x0, s25  }
.LBB2_18:
0xbd: {  	[hbm4b:s0+s7] =	stream.linear.scatter [tilespmem:s26], [sflag:$0x3], $0x80, $0x38;
	[tilespmem:$0x1DF00] =	vst v63  }
0xbe: {  	s0 =	smov.u32 s28;
	s26 =	smov.u32 s4;
	p0 =	sne.s32 s28, $0xF80  }
.Ltmp8:
0xbf: {  	s28 =	sadd.s32 $0x80, s28;
	(pc) =	sbr.rel @p0 .LBB2_18-.Ltmp8, $2  }
0xc0: {  	_ =	sdelay $0x2  }
0xc1: {  	s4 =	sadd.s32 $0x100, s4;
	s0 =	sadd.s32 s0, s25  }
0xc2: {  	s24 =	sadd.s32 $0x1, s24  }
0xc3: {  	p0 =	sne.s32 s24, $0x1A  }
.Ltmp9:
0xc4: {  	_ = 	snop;
	(pc) =	sbr.rel @p0 .LBB2_2-.Ltmp9, $2  }
0xc5: {  	_ =	sdelay $0x2  }
0xc6: {  	[hbm4b:s0+s7] =	stream.linear.scatter [tilespmem:s26], [sflag:$0x3], $0x80, $0x38;
	[tilespmem:$0x1DF00] =	vst v63  }
0xc7: {  	s23 =	sadd.s32 $0x1, s23  }
0xc8: {  	_ =	swait.ge [sflag:s21], $0x1000;
	p0 =	sne.s32 s23, s12  }
.Ltmp10:
0xc9: {  	[sflag:s21] =	ssyncset.done $0x0;
	(pc) =	sbr.rel @p0 .LBB2_1-.Ltmp10, $4  }
0xca: {  	[sflag:s21] =	ssyncadd.s32 $0xFFFFF000  }
0xcb: {  	_ =	swait.ge [sflag:s22], $0x1000  }
0xcc: {  	[sflag:s22] =	ssyncset.done $0x0  }
0xcd: {  	[sflag:s22] =	ssyncadd.s32 $0xFFFFF000  }
0xce: {  	_ =	sfence.sel $0x180000  }
0xcf: {  	[bflag:$0x0] =	sbarrier.arrive $0xFFFF  }
0xd0: {  	_ =	strace $0x90000047  }
0xd1: {  	s0 =	stileid.u32;
	[bflag:$0x2] =	sbarrier.arrive $0xFFFF  }
0xd2: {  	p0 =	sne.s32 s0, $0x0;
	s0 =	rddreg [dreg:$0x4]  }
0xd3: {  	s0 =	sadd.s32 @!p0 $0x100000, s0  }
0xd4: {  	[sflag:s0] =	ssyncadd.tile.s32 @!p0 $0x1;
	_ =	shalt  }
.Lfunc_end2:
_tile_overlayer_lowered:
.L_overlay_start_2:
0xd5: {  	(tag) =	ssettag $0x2  }
0xd6: {  	s0 =	rddreg [dreg:$0x0];
	s2 =	stileid.u32  }
0xd7: {  	s1 =	rddreg [dreg:$0x1];
	p0 =	sne.s32 s2, $0x0  }
0xd8: {  	s3 =	rddreg [dreg:$0x2];
	[bflag:$0x3] =	sbarrier.arrive $0xFFFF;
	s2 =	simm.s32 @!p0 $0x1C05  }
0xd9: {  	[timem:s3], [sflag:s2] =	dma.local @!p0 [hbm:s0], s1  }
0xda: {  	s0 =	simm.s32 @!p0 $0x5  }
0xdb: {  	_ =	swait.ge @!p0 [sflag:s0], s1  }
0xdc: {  	s1 =	ssub.s32 @!p0 $0x0, s1;
	[sflag:s0] =	ssyncset.done @!p0 $0x0  }
0xdd: {  	[sflag:s0] =	ssyncadd.s32 @!p0 s1  }
0xde: {  	[bflag:$0x3] =	sbarrier.arrive $0xFFFF  }
0xdf: {  	_ =	shalt  }

</sc_bundles>
